<compile_context>
chip_gen: v7x
topology: tpu7x:2x2x1
jax: 0.10.2.dev20260603
libtpu: 0.0.44.dev20260713+nightly
codegen_flags: <defaults>
</compile_context>

<pallas_src>
import jax
import jax.numpy as jnp
from jax import lax
from jax.experimental import pallas as pl
from jax.experimental.pallas import tpu as pltpu
from jax.experimental.pallas import tpu_sc as plsc

H_DIM = 128
N_HN = 100000
N_HE = 320000

NC = 2
NS = 16
NW = NC * NS

CHUNK = 128
NBUF = 5

N_CHUNKS_N = 25
N_CHUNKS_E = 80
N_PAD = NW * N_CHUNKS_N * CHUNK
E_PAD = NW * N_CHUNKS_E * CHUNK


def _emb_kernel(hn_hbm, he_hbm, n_table_hbm, e_table_hbm,
                n_out_hbm, e_out_hbm,
                idx_n, idx_e, rows, etab_sp, gsems, osems, isem):
    wid = lax.axis_index("s") * NC + lax.axis_index("c")

    @pl.when(lax.axis_index("s") == 0)
    def _():
        pltpu.sync_copy(e_table_hbm, etab_sp)

    nn = N_CHUNKS_N * CHUNK
    ne = N_CHUNKS_E * CHUNK
    pltpu.async_copy(hn_hbm.at[pl.ds(wid * nn, nn)], idx_n, isem)
    pltpu.make_async_copy(hn_hbm.at[pl.ds(0, nn)], idx_n, isem).wait()
    pltpu.async_copy(he_hbm.at[pl.ds(wid * ne, ne)], idx_e, isem)
    pltpu.make_async_copy(he_hbm.at[pl.ds(0, ne)], idx_e, isem).wait()
    plsc.subcore_barrier()

    def run_table(idx_v, table_hbm, out_hbm, n_chunks, n_rows):
        base = wid * (n_chunks * CHUNK)
        n_outer = n_chunks // NBUF

        def start_gather(j, b):
            pltpu.async_copy(table_hbm.at[idx_v.at[pl.ds(j * CHUNK, CHUNK)]],
                             rows.at[b], gsems[b])

        def wait_gather(b):
            pltpu.make_async_copy(table_hbm.at[idx_v.at[pl.ds(0, CHUNK)]],
                                  rows.at[b], gsems[b]).wait()

        def store_off(j):
            return jnp.minimum(base + j * CHUNK, n_rows - CHUNK)

        def start_store(j, b):
            pltpu.async_copy(rows.at[b], out_hbm.at[pl.ds(store_off(j),
                                                          CHUNK)], osems[b])

        def wait_store(b):
            pltpu.make_async_copy(rows.at[b],
                                  out_hbm.at[pl.ds(0, CHUNK)],
                                  osems[b]).wait()

        assert n_chunks % NBUF == 0
        for b in range(NBUF):
            start_gather(b, b)
        wait_gather(0)
        start_store(0, 0)

        def outer(g, _):
            j0 = g * NBUF
            for k in range(NBUF):
                j = j0 + k + 1
                wait_store(k)
                start_gather(j - 1 + NBUF, k)
                wait_gather((k + 1) % NBUF)
                start_store(j, (k + 1) % NBUF)
            return 0

        lax.fori_loop(0, n_outer - 1, outer, 0)

        for j in range(n_chunks - NBUF + 1, n_chunks):
            wait_store((j - 1) % NBUF)
            wait_gather(j % NBUF)
            start_store(j, j % NBUF)
        wait_store((n_chunks - 1) % NBUF)

    run_table(idx_n, n_table_hbm, n_out_hbm, N_CHUNKS_N, N_HN)
    run_table(idx_e, etab_sp, e_out_hbm, N_CHUNKS_E, N_HE)


@jax.jit
def _run(hn_pad, he_pad, n_table, e_table):
    mesh = plsc.VectorSubcoreMesh(core_axis_name="c", subcore_axis_name="s")
    f = pl.kernel(
        _emb_kernel,
        out_type=(
            jax.ShapeDtypeStruct((N_HN, H_DIM), jnp.float32),
            jax.ShapeDtypeStruct((N_HE, H_DIM), jnp.float32),
        ),
        mesh=mesh,
        scratch_types=[
            pltpu.VMEM((N_CHUNKS_N * CHUNK,), jnp.int32),
            pltpu.VMEM((N_CHUNKS_E * CHUNK,), jnp.int32),
            pltpu.VMEM((NBUF, CHUNK, H_DIM), jnp.float32),
            pltpu.VMEM_SHARED((64, H_DIM), jnp.float32),
            [pltpu.SemaphoreType.DMA] * NBUF,
            [pltpu.SemaphoreType.DMA] * NBUF,
            pltpu.SemaphoreType.DMA,
        ],
    )
    return f(hn_pad, he_pad, n_table, e_table)


def _pad_tail_replicated(idx, total, pad_len):
    n_keep = (total // CHUNK) * CHUNK
    if n_keep == total:
        head = idx
    else:
        head = idx[:n_keep]
    tail = jnp.tile(idx[total - CHUNK:total], (pad_len + CHUNK - 1) // CHUNK)
    return jnp.concatenate([head, tail])


def kernel(g, hn, r, he, norm, n_table, e_table):
    hn_flat = hn.reshape(-1).astype(jnp.int32)
    he_flat = he.reshape(-1).astype(jnp.int32)
    hn_pad = _pad_tail_replicated(hn_flat, N_HN, N_PAD - (N_HN // CHUNK) * CHUNK)
    he_pad = _pad_tail_replicated(he_flat, N_HE, E_PAD - N_HE)
    assert hn_pad.shape[0] == N_PAD and he_pad.shape[0] == E_PAD
    return _run(hn_pad, he_pad, n_table, e_table)

# --- scband reference (transcript-rebuilt; emitter-appended) ---
"""Pipeline reference for scband-embedding-layer-54468775248331 (READ-ONLY COPY).

The authoritative reference and input builder live on the scoring server;
editing this copy changes nothing except your own understanding.
"""

import jax, jax.numpy as jnp
import numpy as np

NUM_NODES = 100000
NUM_RELS = 64
H_DIM = 128
N_HN = 100000
N_HE = 320000

def setup_inputs(seed: int = 0) -> dict:
    key = jax.random.key(seed)
    k_hn, k_r, k_he, k_norm, k_nt, k_et = jax.random.split(key, 6)
    g = 0  # unused placeholder graph arg
    hn = jax.random.randint(k_hn, (N_HN, 1), 0, NUM_NODES, dtype=jnp.int64) if jax.config.read('jax_enable_x64') else jax.random.randint(k_hn, (N_HN, 1), 0, NUM_NODES, dtype=jnp.int32)
    r = jax.random.randint(k_r, (N_HE,), 0, NUM_RELS)
    he = jax.random.randint(k_he, (N_HE, 1), 0, NUM_RELS)
    norm = jax.random.uniform(k_norm, (N_HE, 1), dtype=jnp.float32)
    # learned parameters: embedding tables (default nn.Embedding init ~ N(0,1))
    n_table = jax.random.normal(k_nt, (NUM_NODES, H_DIM), dtype=jnp.float32)
    e_table = jax.random.normal(k_et, (NUM_RELS, H_DIM), dtype=jnp.float32)
    return {"g": g, "hn": hn, "r": r, "he": he, "norm": norm, "n_table": n_table, "e_table": e_table}

def reference(g, hn, r, he, norm, n_table, e_table):
    # EmbeddingLayer.forward: returns (n_embedding(hn.squeeze()), e_embedding(he.squeeze()))
    hn_s = jnp.squeeze(hn)
    he_s = jnp.squeeze(he)
    n_emb = jnp.take(n_table, hn_s, axis=0)
    e_emb = jnp.take(e_table, he_s, axis=0)
    return (n_emb, e_emb)

if __name__ == "__main__":
    import jax
    _d = setup_inputs()
    print(jax.jit(kernel)(*tuple(_d.values())))

</pallas_src>

<mosaic_0001>
#map = affine_map<(d0, d1) -> (0)>
#map1 = affine_map<(d0, d1) -> (0, 0)>
module attributes {stable_mosaic.version = 14 : i64} {
  func.func @_emb_kernel(%arg0: i32, %arg1: i32, %arg2: memref<102400xi32, #tpu.memory_space<hbm>>, %arg3: memref<327680xi32, #tpu.memory_space<hbm>>, %arg4: memref<100000x128xf32, #tpu.memory_space<hbm>>, %arg5: memref<64x128xf32, #tpu.memory_space<hbm>>, %arg6: memref<100000x128xf32, #tpu.memory_space<hbm>>, %arg7: memref<320000x128xf32, #tpu.memory_space<hbm>>, %arg8: memref<3200xi32, #tpu.memory_space<vmem>>, %arg9: memref<10240xi32, #tpu.memory_space<vmem>>, %arg10: memref<5x128x128xf32, #tpu.memory_space<vmem>>, %arg11: memref<64x128xf32, #tpu.memory_space<vmem_shared>>, %arg12: memref<!tpu.dma_semaphore, #tpu.memory_space<semaphore_mem>>, %arg13: memref<!tpu.dma_semaphore, #tpu.memory_space<semaphore_mem>>, %arg14: memref<!tpu.dma_semaphore, #tpu.memory_space<semaphore_mem>>, %arg15: memref<!tpu.dma_semaphore, #tpu.memory_space<semaphore_mem>>, %arg16: memref<!tpu.dma_semaphore, #tpu.memory_space<semaphore_mem>>, %arg17: memref<!tpu.dma_semaphore, #tpu.memory_space<semaphore_mem>>, %arg18: memref<!tpu.dma_semaphore, #tpu.memory_space<semaphore_mem>>, %arg19: memref<!tpu.dma_semaphore, #tpu.memory_space<semaphore_mem>>, %arg20: memref<!tpu.dma_semaphore, #tpu.memory_space<semaphore_mem>>, %arg21: memref<!tpu.dma_semaphore, #tpu.memory_space<semaphore_mem>>, %arg22: memref<!tpu.dma_semaphore, #tpu.memory_space<semaphore_mem>>) attributes {dimension_semantics = [#tpu.dimension_semantics<core_parallel>, #tpu.dimension_semantics<subcore_parallel>], iteration_bounds = array<i64: 2, 16>, scalar_prefetch = 0 : i64, scratch_operands = 15 : i64, tpu.core_type = #tpu.core_type<sc_vector_subcore>, window_params = [{transform_indices = #map}, {transform_indices = #map}, {transform_indices = #map1}, {transform_indices = #map1}, {transform_indices = #map1}, {transform_indices = #map1}]} {
    %mul3A = arith.constant 2 : i32
    %mul3A_0 = arith.muli %arg1, %mul3A : i32
    %add3A = arith.addi %mul3A_0, %arg0 : i32
    %eq3A = arith.constant 0 : i32
    %eq3A_1 = arith.cmpi eq, %arg1, %eq3A : i32
    %convert_element_type3A = arith.extui %eq3A_1 : i1 to i32
    %cond3A = arith.constant 0 : i32
    %cond3A_2 = arith.cmpi ne, %convert_element_type3A, %cond3A : i32
    scf.if %cond3A_2 {
      "tpu.region"() ({
        %run_scoped3A = tpu.sem_alloc : memref<!tpu.dma_semaphore, #tpu.memory_space<semaphore_mem>>
        tpu.enqueue_dma source(%arg5 : memref<64x128xf32, #tpu.memory_space<hbm>>) target(%arg11 : memref<64x128xf32, #tpu.memory_space<vmem_shared>>) target_semaphore(%run_scoped3A : memref<!tpu.dma_semaphore, #tpu.memory_space<semaphore_mem>>)
        tpu.wait_dma2 semaphore(%run_scoped3A : memref<!tpu.dma_semaphore, #tpu.memory_space<semaphore_mem>>) src(%arg5 : memref<64x128xf32, #tpu.memory_space<hbm>>) dst(%arg11 : memref<64x128xf32, #tpu.memory_space<vmem_shared>>)
        tpu.yield
      }) : () -> ()
    } else {
    }
    %mul3A_3 = arith.constant 3200 : i32
    %mul3A_4 = arith.muli %add3A, %mul3A_3 : i32
    %dma_start3A = tpu.memref_slice %arg2[%mul3A_4] : memref<102400xi32, #tpu.memory_space<hbm>> -> memref<3200xi32, #tpu.memory_space<hbm>>
    %dma_start3A_5 = tpu.memref_slice %arg2[%mul3A_4] : memref<102400xi32, #tpu.memory_space<hbm>> -> memref<3200xi32, #tpu.memory_space<hbm>>
    tpu.enqueue_dma source(%dma_start3A_5 : memref<3200xi32, #tpu.memory_space<hbm>>) target(%arg8 : memref<3200xi32, #tpu.memory_space<vmem>>) target_semaphore(%arg22 : memref<!tpu.dma_semaphore, #tpu.memory_space<semaphore_mem>>)
    %dma_wait3A = arith.constant 0 : i32
    %dma_wait3A_6 = tpu.memref_slice %arg2[%dma_wait3A] : memref<102400xi32, #tpu.memory_space<hbm>> -> memref<3200xi32, #tpu.memory_space<hbm>>
    %dma_wait3A_7 = arith.constant 0 : i32
    %dma_wait3A_8 = tpu.memref_slice %arg2[%dma_wait3A_7] : memref<102400xi32, #tpu.memory_space<hbm>> -> memref<3200xi32, #tpu.memory_space<hbm>>
    tpu.wait_dma2 semaphore(%arg22 : memref<!tpu.dma_semaphore, #tpu.memory_space<semaphore_mem>>) src(%dma_wait3A_8 : memref<3200xi32, #tpu.memory_space<hbm>>) dst(%arg8 : memref<3200xi32, #tpu.memory_space<vmem>>)
    %mul3A_9 = arith.constant 10240 : i32
    %mul3A_10 = arith.muli %add3A, %mul3A_9 : i32
    %dma_start3A_11 = tpu.memref_slice %arg3[%mul3A_10] : memref<327680xi32, #tpu.memory_space<hbm>> -> memref<10240xi32, #tpu.memory_space<hbm>>
    %dma_start3A_12 = tpu.memref_slice %arg3[%mul3A_10] : memref<327680xi32, #tpu.memory_space<hbm>> -> memref<10240xi32, #tpu.memory_space<hbm>>
    tpu.enqueue_dma source(%dma_start3A_12 : memref<10240xi32, #tpu.memory_space<hbm>>) target(%arg9 : memref<10240xi32, #tpu.memory_space<vmem>>) target_semaphore(%arg22 : memref<!tpu.dma_semaphore, #tpu.memory_space<semaphore_mem>>)
    %dma_wait3A_13 = arith.constant 0 : i32
    %dma_wait3A_14 = tpu.memref_slice %arg3[%dma_wait3A_13] : memref<327680xi32, #tpu.memory_space<hbm>> -> memref<10240xi32, #tpu.memory_space<hbm>>
    %dma_wait3A_15 = arith.constant 0 : i32
    %dma_wait3A_16 = tpu.memref_slice %arg3[%dma_wait3A_15] : memref<327680xi32, #tpu.memory_space<hbm>> -> memref<10240xi32, #tpu.memory_space<hbm>>
    tpu.wait_dma2 semaphore(%arg22 : memref<!tpu.dma_semaphore, #tpu.memory_space<semaphore_mem>>) src(%dma_wait3A_16 : memref<10240xi32, #tpu.memory_space<hbm>>) dst(%arg9 : memref<10240xi32, #tpu.memory_space<vmem>>)
    %barrier3A = arith.constant 0 : index
    tpu.barrier barrier_id(%barrier3A)
    %mul3A_17 = arith.constant 3200 : i32
    %mul3A_18 = arith.muli %add3A, %mul3A_17 : i32
    %dma_start3A_19 = arith.constant 0 : i32
    %dma_start3A_20 = arith.constant 0 : i32
    %dma_start3A_21 = arith.constant 0 : i32
    %dma_start3A_22 = tpu.memref_slice %arg10[%dma_start3A_19, %dma_start3A_20, %dma_start3A_21] : memref<5x128x128xf32, #tpu.memory_space<vmem>> -> memref<1x128x128xf32, #tpu.memory_space<vmem>>
    %dma_start3A_23 = tpu.memref_squeeze %dma_start3A_22 : memref<1x128x128xf32, #tpu.memory_space<vmem>> -> memref<128x128xf32, #tpu.memory_space<vmem>>
    %dma_start3A_24 = arith.constant 0 : i32
    %dma_start3A_25 = tpu.memref_slice %arg8[%dma_start3A_24] : memref<3200xi32, #tpu.memory_space<vmem>> -> memref<128xi32, #tpu.memory_space<vmem>>
    %dma_start3A_26 = arith.constant 0 : i32
    %dma_start3A_27 = arith.constant 0 : i32
    %dma_start3A_28 = tpu.memref_slice %arg4[%dma_start3A_26, %dma_start3A_27] : memref<100000x128xf32, #tpu.memory_space<hbm>> -> memref<100000x128xf32, #tpu.memory_space<hbm>>
    tpu.enqueue_indirect_dma source(%dma_start3A_28 : memref<100000x128xf32, #tpu.memory_space<hbm>>) target(%dma_start3A_23 : memref<128x128xf32, #tpu.memory_space<vmem>>) offsets(%dma_start3A_25 : memref<128xi32, #tpu.memory_space<vmem>>) semaphore(%arg12 : memref<!tpu.dma_semaphore, #tpu.memory_space<semaphore_mem>>)
    %dma_start3A_29 = arith.constant 1 : i32
    %dma_start3A_30 = arith.constant 0 : i32
    %dma_start3A_31 = arith.constant 0 : i32
    %dma_start3A_32 = tpu.memref_slice %arg10[%dma_start3A_29, %dma_start3A_30, %dma_start3A_31] : memref<5x128x128xf32, #tpu.memory_space<vmem>> -> memref<1x128x128xf32, #tpu.memory_space<vmem>>
    %dma_start3A_33 = tpu.memref_squeeze %dma_start3A_32 : memref<1x128x128xf32, #tpu.memory_space<vmem>> -> memref<128x128xf32, #tpu.memory_space<vmem>>
    %dma_start3A_34 = arith.constant 128 : i32
    %dma_start3A_35 = tpu.memref_slice %arg8[%dma_start3A_34] : memref<3200xi32, #tpu.memory_space<vmem>> -> memref<128xi32, #tpu.memory_space<vmem>>
    %dma_start3A_36 = arith.constant 0 : i32
    %dma_start3A_37 = arith.constant 0 : i32
    %dma_start3A_38 = tpu.memref_slice %arg4[%dma_start3A_36, %dma_start3A_37] : memref<100000x128xf32, #tpu.memory_space<hbm>> -> memref<100000x128xf32, #tpu.memory_space<hbm>>
    tpu.enqueue_indirect_dma source(%dma_start3A_38 : memref<100000x128xf32, #tpu.memory_space<hbm>>) target(%dma_start3A_33 : memref<128x128xf32, #tpu.memory_space<vmem>>) offsets(%dma_start3A_35 : memref<128xi32, #tpu.memory_space<vmem>>) semaphore(%arg13 : memref<!tpu.dma_semaphore, #tpu.memory_space<semaphore_mem>>)
    %dma_start3A_39 = arith.constant 2 : i32
    %dma_start3A_40 = arith.constant 0 : i32
    %dma_start3A_41 = arith.constant 0 : i32
    %dma_start3A_42 = tpu.memref_slice %arg10[%dma_start3A_39, %dma_start3A_40, %dma_start3A_41] : memref<5x128x128xf32, #tpu.memory_space<vmem>> -> memref<1x128x128xf32, #tpu.memory_space<vmem>>
    %dma_start3A_43 = tpu.memref_squeeze %dma_start3A_42 : memref<1x128x128xf32, #tpu.memory_space<vmem>> -> memref<128x128xf32, #tpu.memory_space<vmem>>
    %dma_start3A_44 = arith.constant 256 : i32
    %dma_start3A_45 = tpu.memref_slice %arg8[%dma_start3A_44] : memref<3200xi32, #tpu.memory_space<vmem>> -> memref<128xi32, #tpu.memory_space<vmem>>
    %dma_start3A_46 = arith.constant 0 : i32
    %dma_start3A_47 = arith.constant 0 : i32
    %dma_start3A_48 = tpu.memref_slice %arg4[%dma_start3A_46, %dma_start3A_47] : memref<100000x128xf32, #tpu.memory_space<hbm>> -> memref<100000x128xf32, #tpu.memory_space<hbm>>
    tpu.enqueue_indirect_dma source(%dma_start3A_48 : memref<100000x128xf32, #tpu.memory_space<hbm>>) target(%dma_start3A_43 : memref<128x128xf32, #tpu.memory_space<vmem>>) offsets(%dma_start3A_45 : memref<128xi32, #tpu.memory_space<vmem>>) semaphore(%arg14 : memref<!tpu.dma_semaphore, #tpu.memory_space<semaphore_mem>>)
    %dma_start3A_49 = arith.constant 3 : i32
    %dma_start3A_50 = arith.constant 0 : i32
    %dma_start3A_51 = arith.constant 0 : i32
    %dma_start3A_52 = tpu.memref_slice %arg10[%dma_start3A_49, %dma_start3A_50, %dma_start3A_51] : memref<5x128x128xf32, #tpu.memory_space<vmem>> -> memref<1x128x128xf32, #tpu.memory_space<vmem>>
    %dma_start3A_53 = tpu.memref_squeeze %dma_start3A_52 : memref<1x128x128xf32, #tpu.memory_space<vmem>> -> memref<128x128xf32, #tpu.memory_space<vmem>>
    %dma_start3A_54 = arith.constant 384 : i32
    %dma_start3A_55 = tpu.memref_slice %arg8[%dma_start3A_54] : memref<3200xi32, #tpu.memory_space<vmem>> -> memref<128xi32, #tpu.memory_space<vmem>>
    %dma_start3A_56 = arith.constant 0 : i32
    %dma_start3A_57 = arith.constant 0 : i32
    %dma_start3A_58 = tpu.memref_slice %arg4[%dma_start3A_56, %dma_start3A_57] : memref<100000x128xf32, #tpu.memory_space<hbm>> -> memref<100000x128xf32, #tpu.memory_space<hbm>>
    tpu.enqueue_indirect_dma source(%dma_start3A_58 : memref<100000x128xf32, #tpu.memory_space<hbm>>) target(%dma_start3A_53 : memref<128x128xf32, #tpu.memory_space<vmem>>) offsets(%dma_start3A_55 : memref<128xi32, #tpu.memory_space<vmem>>) semaphore(%arg15 : memref<!tpu.dma_semaphore, #tpu.memory_space<semaphore_mem>>)
    %dma_start3A_59 = arith.constant 4 : i32
    %dma_start3A_60 = arith.constant 0 : i32
    %dma_start3A_61 = arith.constant 0 : i32
    %dma_start3A_62 = tpu.memref_slice %arg10[%dma_start3A_59, %dma_start3A_60, %dma_start3A_61] : memref<5x128x128xf32, #tpu.memory_space<vmem>> -> memref<1x128x128xf32, #tpu.memory_space<vmem>>
    %dma_start3A_63 = tpu.memref_squeeze %dma_start3A_62 : memref<1x128x128xf32, #tpu.memory_space<vmem>> -> memref<128x128xf32, #tpu.memory_space<vmem>>
    %dma_start3A_64 = arith.constant 512 : i32
    %dma_start3A_65 = tpu.memref_slice %arg8[%dma_start3A_64] : memref<3200xi32, #tpu.memory_space<vmem>> -> memref<128xi32, #tpu.memory_space<vmem>>
    %dma_start3A_66 = arith.constant 0 : i32
    %dma_start3A_67 = arith.constant 0 : i32
    %dma_start3A_68 = tpu.memref_slice %arg4[%dma_start3A_66, %dma_start3A_67] : memref<100000x128xf32, #tpu.memory_space<hbm>> -> memref<100000x128xf32, #tpu.memory_space<hbm>>
    tpu.enqueue_indirect_dma source(%dma_start3A_68 : memref<100000x128xf32, #tpu.memory_space<hbm>>) target(%dma_start3A_63 : memref<128x128xf32, #tpu.memory_space<vmem>>) offsets(%dma_start3A_65 : memref<128xi32, #tpu.memory_space<vmem>>) semaphore(%arg16 : memref<!tpu.dma_semaphore, #tpu.memory_space<semaphore_mem>>)
    %dma_wait3A_69 = arith.constant 0 : i32
    %dma_wait3A_70 = arith.constant 0 : i32
    %dma_wait3A_71 = arith.constant 0 : i32
    %dma_wait3A_72 = tpu.memref_slice %arg10[%dma_wait3A_69, %dma_wait3A_70, %dma_wait3A_71] : memref<5x128x128xf32, #tpu.memory_space<vmem>> -> memref<1x128x128xf32, #tpu.memory_space<vmem>>
    %dma_wait3A_73 = tpu.memref_squeeze %dma_wait3A_72 : memref<1x128x128xf32, #tpu.memory_space<vmem>> -> memref<128x128xf32, #tpu.memory_space<vmem>>
    %dma_wait3A_74 = arith.constant 0 : i32
    %dma_wait3A_75 = tpu.memref_slice %arg8[%dma_wait3A_74] : memref<3200xi32, #tpu.memory_space<vmem>> -> memref<128xi32, #tpu.memory_space<vmem>>
    %dma_wait3A_76 = arith.constant 0 : i32
    %dma_wait3A_77 = arith.constant 0 : i32
    %dma_wait3A_78 = tpu.memref_slice %arg4[%dma_wait3A_76, %dma_wait3A_77] : memref<100000x128xf32, #tpu.memory_space<hbm>> -> memref<100000x128xf32, #tpu.memory_space<hbm>>
    tpu.wait_indirect_dma semaphore(%arg12 : memref<!tpu.dma_semaphore, #tpu.memory_space<semaphore_mem>>) src(%dma_wait3A_78 : memref<100000x128xf32, #tpu.memory_space<hbm>>) dst(%dma_wait3A_73 : memref<128x128xf32, #tpu.memory_space<vmem>>)
    %add3A_79 = arith.constant 0 : i32
    %add3A_80 = arith.addi %mul3A_18, %add3A_79 : i32
    %min3A = arith.constant 99872 : i32
    %min3A_81 = arith.minsi %add3A_80, %min3A : i32
    %dma_start3A_82 = arith.constant 0 : i32
    %dma_start3A_83 = arith.constant 0 : i32
    %dma_start3A_84 = arith.constant 0 : i32
    %dma_start3A_85 = tpu.memref_slice %arg10[%dma_start3A_82, %dma_start3A_83, %dma_start3A_84] : memref<5x128x128xf32, #tpu.memory_space<vmem>> -> memref<1x128x128xf32, #tpu.memory_space<vmem>>
    %dma_start3A_86 = tpu.memref_squeeze %dma_start3A_85 : memref<1x128x128xf32, #tpu.memory_space<vmem>> -> memref<128x128xf32, #tpu.memory_space<vmem>>
    %dma_start3A_87 = arith.constant 0 : i32
    %dma_start3A_88 = tpu.memref_slice %arg6[%min3A_81, %dma_start3A_87] : memref<100000x128xf32, #tpu.memory_space<hbm>> -> memref<128x128xf32, #tpu.memory_space<hbm>>
    %dma_start3A_89 = arith.constant 0 : i32
    %dma_start3A_90 = tpu.memref_slice %arg6[%min3A_81, %dma_start3A_89] : memref<100000x128xf32, #tpu.memory_space<hbm>> -> memref<128x128xf32, #tpu.memory_space<hbm>>
    %dma_start3A_91 = arith.constant 0 : i32
    %dma_start3A_92 = arith.constant 0 : i32
    %dma_start3A_93 = tpu.memref_slice %arg10[%dma_start3A_82, %dma_start3A_91, %dma_start3A_92] : memref<5x128x128xf32, #tpu.memory_space<vmem>> -> memref<1x128x128xf32, #tpu.memory_space<vmem>>
    %dma_start3A_94 = tpu.memref_squeeze %dma_start3A_93 : memref<1x128x128xf32, #tpu.memory_space<vmem>> -> memref<128x128xf32, #tpu.memory_space<vmem>>
    tpu.enqueue_dma source(%dma_start3A_94 : memref<128x128xf32, #tpu.memory_space<vmem>>) target(%dma_start3A_90 : memref<128x128xf32, #tpu.memory_space<hbm>>) target_semaphore(%arg17 : memref<!tpu.dma_semaphore, #tpu.memory_space<semaphore_mem>>)
    %scan3A = arith.constant 0 : i32
    %scan3A_95 = arith.constant 0 : i32
    %scan3A_96 = arith.constant 4 : i32
    %scan3A_97 = arith.addi %scan3A_95, %scan3A_96 : i32
    %scan3A_98 = arith.constant 1 : i32
    %scan3A_99 = scf.for %scan3A_553 = %scan3A_95 to %scan3A_97 step %scan3A_98 iter_args(%scan3A_554 = %scan3A) -> (i32)  : i32 {
      %mul3A_555 = arith.constant 5 : i32
      %mul3A_556 = arith.muli %scan3A_553, %mul3A_555 : i32
      %add3A_557 = arith.constant 0 : i32
      %add3A_558 = arith.addi %mul3A_556, %add3A_557 : i32
      %add3A_559 = arith.constant 1 : i32
      %add3A_560 = arith.addi %add3A_558, %add3A_559 : i32
      %dma_wait3A_561 = arith.constant 0 : i32
      %dma_wait3A_562 = arith.constant 0 : i32
      %dma_wait3A_563 = arith.constant 0 : i32
      %dma_wait3A_564 = tpu.memref_slice %arg10[%dma_wait3A_561, %dma_wait3A_562, %dma_wait3A_563] : memref<5x128x128xf32, #tpu.memory_space<vmem>> -> memref<1x128x128xf32, #tpu.memory_space<vmem>>
      %dma_wait3A_565 = tpu.memref_squeeze %dma_wait3A_564 : memref<1x128x128xf32, #tpu.memory_space<vmem>> -> memref<128x128xf32, #tpu.memory_space<vmem>>
      %dma_wait3A_566 = arith.constant 0 : i32
      %dma_wait3A_567 = arith.constant 0 : i32
      %dma_wait3A_568 = tpu.memref_slice %arg6[%dma_wait3A_566, %dma_wait3A_567] : memref<100000x128xf32, #tpu.memory_space<hbm>> -> memref<128x128xf32, #tpu.memory_space<hbm>>
      %dma_wait3A_569 = arith.constant 0 : i32
      %dma_wait3A_570 = arith.constant 0 : i32
      %dma_wait3A_571 = tpu.memref_slice %arg6[%dma_wait3A_569, %dma_wait3A_570] : memref<100000x128xf32, #tpu.memory_space<hbm>> -> memref<128x128xf32, #tpu.memory_space<hbm>>
      %dma_wait3A_572 = arith.constant 0 : i32
      %dma_wait3A_573 = arith.constant 0 : i32
      %dma_wait3A_574 = tpu.memref_slice %arg10[%dma_wait3A_561, %dma_wait3A_572, %dma_wait3A_573] : memref<5x128x128xf32, #tpu.memory_space<vmem>> -> memref<1x128x128xf32, #tpu.memory_space<vmem>>
      %dma_wait3A_575 = tpu.memref_squeeze %dma_wait3A_574 : memref<1x128x128xf32, #tpu.memory_space<vmem>> -> memref<128x128xf32, #tpu.memory_space<vmem>>
      tpu.wait_dma2 semaphore(%arg17 : memref<!tpu.dma_semaphore, #tpu.memory_space<semaphore_mem>>) src(%dma_wait3A_575 : memref<128x128xf32, #tpu.memory_space<vmem>>) dst(%dma_wait3A_571 : memref<128x128xf32, #tpu.memory_space<hbm>>)
      %sub3A = arith.constant 1 : i32
      %sub3A_576 = arith.subi %add3A_560, %sub3A : i32
      %add3A_577 = arith.constant 5 : i32
      %add3A_578 = arith.addi %sub3A_576, %add3A_577 : i32
      %mul3A_579 = arith.constant 128 : i32
      %mul3A_580 = arith.muli %add3A_578, %mul3A_579 : i32
      %dma_start3A_581 = arith.constant 0 : i32
      %dma_start3A_582 = arith.constant 0 : i32
      %dma_start3A_583 = arith.constant 0 : i32
      %dma_start3A_584 = tpu.memref_slice %arg10[%dma_start3A_581, %dma_start3A_582, %dma_start3A_583] : memref<5x128x128xf32, #tpu.memory_space<vmem>> -> memref<1x128x128xf32, #tpu.memory_space<vmem>>
      %dma_start3A_585 = tpu.memref_squeeze %dma_start3A_584 : memref<1x128x128xf32, #tpu.memory_space<vmem>> -> memref<128x128xf32, #tpu.memory_space<vmem>>
      %dma_start3A_586 = tpu.memref_slice %arg8[%mul3A_580] : memref<3200xi32, #tpu.memory_space<vmem>> -> memref<128xi32, #tpu.memory_space<vmem>>
      %dma_start3A_587 = arith.constant 0 : i32
      %dma_start3A_588 = arith.constant 0 : i32
      %dma_start3A_589 = tpu.memref_slice %arg4[%dma_start3A_587, %dma_start3A_588] : memref<100000x128xf32, #tpu.memory_space<hbm>> -> memref<100000x128xf32, #tpu.memory_space<hbm>>
      tpu.enqueue_indirect_dma source(%dma_start3A_589 : memref<100000x128xf32, #tpu.memory_space<hbm>>) target(%dma_start3A_585 : memref<128x128xf32, #tpu.memory_space<vmem>>) offsets(%dma_start3A_586 : memref<128xi32, #tpu.memory_space<vmem>>) semaphore(%arg12 : memref<!tpu.dma_semaphore, #tpu.memory_space<semaphore_mem>>)
      %dma_wait3A_590 = arith.constant 1 : i32
      %dma_wait3A_591 = arith.constant 0 : i32
      %dma_wait3A_592 = arith.constant 0 : i32
      %dma_wait3A_593 = tpu.memref_slice %arg10[%dma_wait3A_590, %dma_wait3A_591, %dma_wait3A_592] : memref<5x128x128xf32, #tpu.memory_space<vmem>> -> memref<1x128x128xf32, #tpu.memory_space<vmem>>
      %dma_wait3A_594 = tpu.memref_squeeze %dma_wait3A_593 : memref<1x128x128xf32, #tpu.memory_space<vmem>> -> memref<128x128xf32, #tpu.memory_space<vmem>>
      %dma_wait3A_595 = arith.constant 0 : i32
      %dma_wait3A_596 = tpu.memref_slice %arg8[%dma_wait3A_595] : memref<3200xi32, #tpu.memory_space<vmem>> -> memref<128xi32, #tpu.memory_space<vmem>>
      %dma_wait3A_597 = arith.constant 0 : i32
      %dma_wait3A_598 = arith.constant 0 : i32
      %dma_wait3A_599 = tpu.memref_slice %arg4[%dma_wait3A_597, %dma_wait3A_598] : memref<100000x128xf32, #tpu.memory_space<hbm>> -> memref<100000x128xf32, #tpu.memory_space<hbm>>
      tpu.wait_indirect_dma semaphore(%arg13 : memref<!tpu.dma_semaphore, #tpu.memory_space<semaphore_mem>>) src(%dma_wait3A_599 : memref<100000x128xf32, #tpu.memory_space<hbm>>) dst(%dma_wait3A_594 : memref<128x128xf32, #tpu.memory_space<vmem>>)
      %mul3A_600 = arith.constant 128 : i32
      %mul3A_601 = arith.muli %add3A_560, %mul3A_600 : i32
      %add3A_602 = arith.addi %mul3A_18, %mul3A_601 : i32
      %min3A_603 = arith.constant 99872 : i32
      %min3A_604 = arith.minsi %add3A_602, %min3A_603 : i32
      %dma_start3A_605 = arith.constant 1 : i32
      %dma_start3A_606 = arith.constant 0 : i32
      %dma_start3A_607 = arith.constant 0 : i32
      %dma_start3A_608 = tpu.memref_slice %arg10[%dma_start3A_605, %dma_start3A_606, %dma_start3A_607] : memref<5x128x128xf32, #tpu.memory_space<vmem>> -> memref<1x128x128xf32, #tpu.memory_space<vmem>>
      %dma_start3A_609 = tpu.memref_squeeze %dma_start3A_608 : memref<1x128x128xf32, #tpu.memory_space<vmem>> -> memref<128x128xf32, #tpu.memory_space<vmem>>
      %dma_start3A_610 = arith.constant 0 : i32
      %dma_start3A_611 = tpu.memref_slice %arg6[%min3A_604, %dma_start3A_610] : memref<100000x128xf32, #tpu.memory_space<hbm>> -> memref<128x128xf32, #tpu.memory_space<hbm>>
      %dma_start3A_612 = arith.constant 0 : i32
      %dma_start3A_613 = tpu.memref_slice %arg6[%min3A_604, %dma_start3A_612] : memref<100000x128xf32, #tpu.memory_space<hbm>> -> memref<128x128xf32, #tpu.memory_space<hbm>>
      %dma_start3A_614 = arith.constant 0 : i32
      %dma_start3A_615 = arith.constant 0 : i32
      %dma_start3A_616 = tpu.memref_slice %arg10[%dma_start3A_605, %dma_start3A_614, %dma_start3A_615] : memref<5x128x128xf32, #tpu.memory_space<vmem>> -> memref<1x128x128xf32, #tpu.memory_space<vmem>>
      %dma_start3A_617 = tpu.memref_squeeze %dma_start3A_616 : memref<1x128x128xf32, #tpu.memory_space<vmem>> -> memref<128x128xf32, #tpu.memory_space<vmem>>
      tpu.enqueue_dma source(%dma_start3A_617 : memref<128x128xf32, #tpu.memory_space<vmem>>) target(%dma_start3A_613 : memref<128x128xf32, #tpu.memory_space<hbm>>) target_semaphore(%arg18 : memref<!tpu.dma_semaphore, #tpu.memory_space<semaphore_mem>>)
      %add3A_618 = arith.constant 1 : i32
      %add3A_619 = arith.addi %mul3A_556, %add3A_618 : i32
      %add3A_620 = arith.constant 1 : i32
      %add3A_621 = arith.addi %add3A_619, %add3A_620 : i32
      %dma_wait3A_622 = arith.constant 1 : i32
      %dma_wait3A_623 = arith.constant 0 : i32
      %dma_wait3A_624 = arith.constant 0 : i32
      %dma_wait3A_625 = tpu.memref_slice %arg10[%dma_wait3A_622, %dma_wait3A_623, %dma_wait3A_624] : memref<5x128x128xf32, #tpu.memory_space<vmem>> -> memref<1x128x128xf32, #tpu.memory_space<vmem>>
      %dma_wait3A_626 = tpu.memref_squeeze %dma_wait3A_625 : memref<1x128x128xf32, #tpu.memory_space<vmem>> -> memref<128x128xf32, #tpu.memory_space<vmem>>
      %dma_wait3A_627 = arith.constant 0 : i32
      %dma_wait3A_628 = arith.constant 0 : i32
      %dma_wait3A_629 = tpu.memref_slice %arg6[%dma_wait3A_627, %dma_wait3A_628] : memref<100000x128xf32, #tpu.memory_space<hbm>> -> memref<128x128xf32, #tpu.memory_space<hbm>>
      %dma_wait3A_630 = arith.constant 0 : i32
      %dma_wait3A_631 = arith.constant 0 : i32
      %dma_wait3A_632 = tpu.memref_slice %arg6[%dma_wait3A_630, %dma_wait3A_631] : memref<100000x128xf32, #tpu.memory_space<hbm>> -> memref<128x128xf32, #tpu.memory_space<hbm>>
      %dma_wait3A_633 = arith.constant 0 : i32
      %dma_wait3A_634 = arith.constant 0 : i32
      %dma_wait3A_635 = tpu.memref_slice %arg10[%dma_wait3A_622, %dma_wait3A_633, %dma_wait3A_634] : memref<5x128x128xf32, #tpu.memory_space<vmem>> -> memref<1x128x128xf32, #tpu.memory_space<vmem>>
      %dma_wait3A_636 = tpu.memref_squeeze %dma_wait3A_635 : memref<1x128x128xf32, #tpu.memory_space<vmem>> -> memref<128x128xf32, #tpu.memory_space<vmem>>
      tpu.wait_dma2 semaphore(%arg18 : memref<!tpu.dma_semaphore, #tpu.memory_space<semaphore_mem>>) src(%dma_wait3A_636 : memref<128x128xf32, #tpu.memory_space<vmem>>) dst(%dma_wait3A_632 : memref<128x128xf32, #tpu.memory_space<hbm>>)
      %sub3A_637 = arith.constant 1 : i32
      %sub3A_638 = arith.subi %add3A_621, %sub3A_637 : i32
      %add3A_639 = arith.constant 5 : i32
      %add3A_640 = arith.addi %sub3A_638, %add3A_639 : i32
      %mul3A_641 = arith.constant 128 : i32
      %mul3A_642 = arith.muli %add3A_640, %mul3A_641 : i32
      %dma_start3A_643 = arith.constant 1 : i32
      %dma_start3A_644 = arith.constant 0 : i32
      %dma_start3A_645 = arith.constant 0 : i32
      %dma_start3A_646 = tpu.memref_slice %arg10[%dma_start3A_643, %dma_start3A_644, %dma_start3A_645] : memref<5x128x128xf32, #tpu.memory_space<vmem>> -> memref<1x128x128xf32, #tpu.memory_space<vmem>>
      %dma_start3A_647 = tpu.memref_squeeze %dma_start3A_646 : memref<1x128x128xf32, #tpu.memory_space<vmem>> -> memref<128x128xf32, #tpu.memory_space<vmem>>
      %dma_start3A_648 = tpu.memref_slice %arg8[%mul3A_642] : memref<3200xi32, #tpu.memory_space<vmem>> -> memref<128xi32, #tpu.memory_space<vmem>>
      %dma_start3A_649 = arith.constant 0 : i32
      %dma_start3A_650 = arith.constant 0 : i32
      %dma_start3A_651 = tpu.memref_slice %arg4[%dma_start3A_649, %dma_start3A_650] : memref<100000x128xf32, #tpu.memory_space<hbm>> -> memref<100000x128xf32, #tpu.memory_space<hbm>>
      tpu.enqueue_indirect_dma source(%dma_start3A_651 : memref<100000x128xf32, #tpu.memory_space<hbm>>) target(%dma_start3A_647 : memref<128x128xf32, #tpu.memory_space<vmem>>) offsets(%dma_start3A_648 : memref<128xi32, #tpu.memory_space<vmem>>) semaphore(%arg13 : memref<!tpu.dma_semaphore, #tpu.memory_space<semaphore_mem>>)
      %dma_wait3A_652 = arith.constant 2 : i32
      %dma_wait3A_653 = arith.constant 0 : i32
      %dma_wait3A_654 = arith.constant 0 : i32
      %dma_wait3A_655 = tpu.memref_slice %arg10[%dma_wait3A_652, %dma_wait3A_653, %dma_wait3A_654] : memref<5x128x128xf32, #tpu.memory_space<vmem>> -> memref<1x128x128xf32, #tpu.memory_space<vmem>>
      %dma_wait3A_656 = tpu.memref_squeeze %dma_wait3A_655 : memref<1x128x128xf32, #tpu.memory_space<vmem>> -> memref<128x128xf32, #tpu.memory_space<vmem>>
      %dma_wait3A_657 = arith.constant 0 : i32
      %dma_wait3A_658 = tpu.memref_slice %arg8[%dma_wait3A_657] : memref<3200xi32, #tpu.memory_space<vmem>> -> memref<128xi32, #tpu.memory_space<vmem>>
      %dma_wait3A_659 = arith.constant 0 : i32
      %dma_wait3A_660 = arith.constant 0 : i32
      %dma_wait3A_661 = tpu.memref_slice %arg4[%dma_wait3A_659, %dma_wait3A_660] : memref<100000x128xf32, #tpu.memory_space<hbm>> -> memref<100000x128xf32, #tpu.memory_space<hbm>>
      tpu.wait_indirect_dma semaphore(%arg14 : memref<!tpu.dma_semaphore, #tpu.memory_space<semaphore_mem>>) src(%dma_wait3A_661 : memref<100000x128xf32, #tpu.memory_space<hbm>>) dst(%dma_wait3A_656 : memref<128x128xf32, #tpu.memory_space<vmem>>)
      %mul3A_662 = arith.constant 128 : i32
      %mul3A_663 = arith.muli %add3A_621, %mul3A_662 : i32
      %add3A_664 = arith.addi %mul3A_18, %mul3A_663 : i32
      %min3A_665 = arith.constant 99872 : i32
      %min3A_666 = arith.minsi %add3A_664, %min3A_665 : i32
      %dma_start3A_667 = arith.constant 2 : i32
      %dma_start3A_668 = arith.constant 0 : i32
      %dma_start3A_669 = arith.constant 0 : i32
      %dma_start3A_670 = tpu.memref_slice %arg10[%dma_start3A_667, %dma_start3A_668, %dma_start3A_669] : memref<5x128x128xf32, #tpu.memory_space<vmem>> -> memref<1x128x128xf32, #tpu.memory_space<vmem>>
      %dma_start3A_671 = tpu.memref_squeeze %dma_start3A_670 : memref<1x128x128xf32, #tpu.memory_space<vmem>> -> memref<128x128xf32, #tpu.memory_space<vmem>>
      %dma_start3A_672 = arith.constant 0 : i32
      %dma_start3A_673 = tpu.memref_slice %arg6[%min3A_666, %dma_start3A_672] : memref<100000x128xf32, #tpu.memory_space<hbm>> -> memref<128x128xf32, #tpu.memory_space<hbm>>
      %dma_start3A_674 = arith.constant 0 : i32
      %dma_start3A_675 = tpu.memref_slice %arg6[%min3A_666, %dma_start3A_674] : memref<100000x128xf32, #tpu.memory_space<hbm>> -> memref<128x128xf32, #tpu.memory_space<hbm>>
      %dma_start3A_676 = arith.constant 0 : i32
      %dma_start3A_677 = arith.constant 0 : i32
      %dma_start3A_678 = tpu.memref_slice %arg10[%dma_start3A_667, %dma_start3A_676, %dma_start3A_677] : memref<5x128x128xf32, #tpu.memory_space<vmem>> -> memref<1x128x128xf32, #tpu.memory_space<vmem>>
      %dma_start3A_679 = tpu.memref_squeeze %dma_start3A_678 : memref<1x128x128xf32, #tpu.memory_space<vmem>> -> memref<128x128xf32, #tpu.memory_space<vmem>>
      tpu.enqueue_dma source(%dma_start3A_679 : memref<128x128xf32, #tpu.memory_space<vmem>>) target(%dma_start3A_675 : memref<128x128xf32, #tpu.memory_space<hbm>>) target_semaphore(%arg19 : memref<!tpu.dma_semaphore, #tpu.memory_space<semaphore_mem>>)
      %add3A_680 = arith.constant 2 : i32
      %add3A_681 = arith.addi %mul3A_556, %add3A_680 : i32
      %add3A_682 = arith.constant 1 : i32
      %add3A_683 = arith.addi %add3A_681, %add3A_682 : i32
      %dma_wait3A_684 = arith.constant 2 : i32
      %dma_wait3A_685 = arith.constant 0 : i32
      %dma_wait3A_686 = arith.constant 0 : i32
      %dma_wait3A_687 = tpu.memref_slice %arg10[%dma_wait3A_684, %dma_wait3A_685, %dma_wait3A_686] : memref<5x128x128xf32, #tpu.memory_space<vmem>> -> memref<1x128x128xf32, #tpu.memory_space<vmem>>
      %dma_wait3A_688 = tpu.memref_squeeze %dma_wait3A_687 : memref<1x128x128xf32, #tpu.memory_space<vmem>> -> memref<128x128xf32, #tpu.memory_space<vmem>>
      %dma_wait3A_689 = arith.constant 0 : i32
      %dma_wait3A_690 = arith.constant 0 : i32
      %dma_wait3A_691 = tpu.memref_slice %arg6[%dma_wait3A_689, %dma_wait3A_690] : memref<100000x128xf32, #tpu.memory_space<hbm>> -> memref<128x128xf32, #tpu.memory_space<hbm>>
      %dma_wait3A_692 = arith.constant 0 : i32
      %dma_wait3A_693 = arith.constant 0 : i32
      %dma_wait3A_694 = tpu.memref_slice %arg6[%dma_wait3A_692, %dma_wait3A_693] : memref<100000x128xf32, #tpu.memory_space<hbm>> -> memref<128x128xf32, #tpu.memory_space<hbm>>
      %dma_wait3A_695 = arith.constant 0 : i32
      %dma_wait3A_696 = arith.constant 0 : i32
      %dma_wait3A_697 = tpu.memref_slice %arg10[%dma_wait3A_684, %dma_wait3A_695, %dma_wait3A_696] : memref<5x128x128xf32, #tpu.memory_space<vmem>> -> memref<1x128x128xf32, #tpu.memory_space<vmem>>
      %dma_wait3A_698 = tpu.memref_squeeze %dma_wait3A_697 : memref<1x128x128xf32, #tpu.memory_space<vmem>> -> memref<128x128xf32, #tpu.memory_space<vmem>>
      tpu.wait_dma2 semaphore(%arg19 : memref<!tpu.dma_semaphore, #tpu.memory_space<semaphore_mem>>) src(%dma_wait3A_698 : memref<128x128xf32, #tpu.memory_space<vmem>>) dst(%dma_wait3A_694 : memref<128x128xf32, #tpu.memory_space<hbm>>)
      %sub3A_699 = arith.constant 1 : i32
      %sub3A_700 = arith.subi %add3A_683, %sub3A_699 : i32
      %add3A_701 = arith.constant 5 : i32
      %add3A_702 = arith.addi %sub3A_700, %add3A_701 : i32
      %mul3A_703 = arith.constant 128 : i32
      %mul3A_704 = arith.muli %add3A_702, %mul3A_703 : i32
      %dma_start3A_705 = arith.constant 2 : i32
      %dma_start3A_706 = arith.constant 0 : i32
      %dma_start3A_707 = arith.constant 0 : i32
      %dma_start3A_708 = tpu.memref_slice %arg10[%dma_start3A_705, %dma_start3A_706, %dma_start3A_707] : memref<5x128x128xf32, #tpu.memory_space<vmem>> -> memref<1x128x128xf32, #tpu.memory_space<vmem>>
      %dma_start3A_709 = tpu.memref_squeeze %dma_start3A_708 : memref<1x128x128xf32, #tpu.memory_space<vmem>> -> memref<128x128xf32, #tpu.memory_space<vmem>>
      %dma_start3A_710 = tpu.memref_slice %arg8[%mul3A_704] : memref<3200xi32, #tpu.memory_space<vmem>> -> memref<128xi32, #tpu.memory_space<vmem>>
      %dma_start3A_711 = arith.constant 0 : i32
      %dma_start3A_712 = arith.constant 0 : i32
      %dma_start3A_713 = tpu.memref_slice %arg4[%dma_start3A_711, %dma_start3A_712] : memref<100000x128xf32, #tpu.memory_space<hbm>> -> memref<100000x128xf32, #tpu.memory_space<hbm>>
      tpu.enqueue_indirect_dma source(%dma_start3A_713 : memref<100000x128xf32, #tpu.memory_space<hbm>>) target(%dma_start3A_709 : memref<128x128xf32, #tpu.memory_space<vmem>>) offsets(%dma_start3A_710 : memref<128xi32, #tpu.memory_space<vmem>>) semaphore(%arg14 : memref<!tpu.dma_semaphore, #tpu.memory_space<semaphore_mem>>)
      %dma_wait3A_714 = arith.constant 3 : i32
      %dma_wait3A_715 = arith.constant 0 : i32
      %dma_wait3A_716 = arith.constant 0 : i32
      %dma_wait3A_717 = tpu.memref_slice %arg10[%dma_wait3A_714, %dma_wait3A_715, %dma_wait3A_716] : memref<5x128x128xf32, #tpu.memory_space<vmem>> -> memref<1x128x128xf32, #tpu.memory_space<vmem>>
      %dma_wait3A_718 = tpu.memref_squeeze %dma_wait3A_717 : memref<1x128x128xf32, #tpu.memory_space<vmem>> -> memref<128x128xf32, #tpu.memory_space<vmem>>
      %dma_wait3A_719 = arith.constant 0 : i32
      %dma_wait3A_720 = tpu.memref_slice %arg8[%dma_wait3A_719] : memref<3200xi32, #tpu.memory_space<vmem>> -> memref<128xi32, #tpu.memory_space<vmem>>
      %dma_wait3A_721 = arith.constant 0 : i32
      %dma_wait3A_722 = arith.constant 0 : i32
      %dma_wait3A_723 = tpu.memref_slice %arg4[%dma_wait3A_721, %dma_wait3A_722] : memref<100000x128xf32, #tpu.memory_space<hbm>> -> memref<100000x128xf32, #tpu.memory_space<hbm>>
      tpu.wait_indirect_dma semaphore(%arg15 : memref<!tpu.dma_semaphore, #tpu.memory_space<semaphore_mem>>) src(%dma_wait3A_723 : memref<100000x128xf32, #tpu.memory_space<hbm>>) dst(%dma_wait3A_718 : memref<128x128xf32, #tpu.memory_space<vmem>>)
      %mul3A_724 = arith.constant 128 : i32
      %mul3A_725 = arith.muli %add3A_683, %mul3A_724 : i32
      %add3A_726 = arith.addi %mul3A_18, %mul3A_725 : i32
      %min3A_727 = arith.constant 99872 : i32
      %min3A_728 = arith.minsi %add3A_726, %min3A_727 : i32
      %dma_start3A_729 = arith.constant 3 : i32
      %dma_start3A_730 = arith.constant 0 : i32
      %dma_start3A_731 = arith.constant 0 : i32
      %dma_start3A_732 = tpu.memref_slice %arg10[%dma_start3A_729, %dma_start3A_730, %dma_start3A_731] : memref<5x128x128xf32, #tpu.memory_space<vmem>> -> memref<1x128x128xf32, #tpu.memory_space<vmem>>
      %dma_start3A_733 = tpu.memref_squeeze %dma_start3A_732 : memref<1x128x128xf32, #tpu.memory_space<vmem>> -> memref<128x128xf32, #tpu.memory_space<vmem>>
      %dma_start3A_734 = arith.constant 0 : i32
      %dma_start3A_735 = tpu.memref_slice %arg6[%min3A_728, %dma_start3A_734] : memref<100000x128xf32, #tpu.memory_space<hbm>> -> memref<128x128xf32, #tpu.memory_space<hbm>>
      %dma_start3A_736 = arith.constant 0 : i32
      %dma_start3A_737 = tpu.memref_slice %arg6[%min3A_728, %dma_start3A_736] : memref<100000x128xf32, #tpu.memory_space<hbm>> -> memref<128x128xf32, #tpu.memory_space<hbm>>
      %dma_start3A_738 = arith.constant 0 : i32
      %dma_start3A_739 = arith.constant 0 : i32
      %dma_start3A_740 = tpu.memref_slice %arg10[%dma_start3A_729, %dma_start3A_738, %dma_start3A_739] : memref<5x128x128xf32, #tpu.memory_space<vmem>> -> memref<1x128x128xf32, #tpu.memory_space<vmem>>
      %dma_start3A_741 = tpu.memref_squeeze %dma_start3A_740 : memref<1x128x128xf32, #tpu.memory_space<vmem>> -> memref<128x128xf32, #tpu.memory_space<vmem>>
      tpu.enqueue_dma source(%dma_start3A_741 : memref<128x128xf32, #tpu.memory_space<vmem>>) target(%dma_start3A_737 : memref<128x128xf32, #tpu.memory_space<hbm>>) target_semaphore(%arg20 : memref<!tpu.dma_semaphore, #tpu.memory_space<semaphore_mem>>)
      %add3A_742 = arith.constant 3 : i32
      %add3A_743 = arith.addi %mul3A_556, %add3A_742 : i32
      %add3A_744 = arith.constant 1 : i32
      %add3A_745 = arith.addi %add3A_743, %add3A_744 : i32
      %dma_wait3A_746 = arith.constant 3 : i32
      %dma_wait3A_747 = arith.constant 0 : i32
      %dma_wait3A_748 = arith.constant 0 : i32
      %dma_wait3A_749 = tpu.memref_slice %arg10[%dma_wait3A_746, %dma_wait3A_747, %dma_wait3A_748] : memref<5x128x128xf32, #tpu.memory_space<vmem>> -> memref<1x128x128xf32, #tpu.memory_space<vmem>>
      %dma_wait3A_750 = tpu.memref_squeeze %dma_wait3A_749 : memref<1x128x128xf32, #tpu.memory_space<vmem>> -> memref<128x128xf32, #tpu.memory_space<vmem>>
      %dma_wait3A_751 = arith.constant 0 : i32
      %dma_wait3A_752 = arith.constant 0 : i32
      %dma_wait3A_753 = tpu.memref_slice %arg6[%dma_wait3A_751, %dma_wait3A_752] : memref<100000x128xf32, #tpu.memory_space<hbm>> -> memref<128x128xf32, #tpu.memory_space<hbm>>
      %dma_wait3A_754 = arith.constant 0 : i32
      %dma_wait3A_755 = arith.constant 0 : i32
      %dma_wait3A_756 = tpu.memref_slice %arg6[%dma_wait3A_754, %dma_wait3A_755] : memref<100000x128xf32, #tpu.memory_space<hbm>> -> memref<128x128xf32, #tpu.memory_space<hbm>>
      %dma_wait3A_757 = arith.constant 0 : i32
      %dma_wait3A_758 = arith.constant 0 : i32
      %dma_wait3A_759 = tpu.memref_slice %arg10[%dma_wait3A_746, %dma_wait3A_757, %dma_wait3A_758] : memref<5x128x128xf32, #tpu.memory_space<vmem>> -> memref<1x128x128xf32, #tpu.memory_space<vmem>>
      %dma_wait3A_760 = tpu.memref_squeeze %dma_wait3A_759 : memref<1x128x128xf32, #tpu.memory_space<vmem>> -> memref<128x128xf32, #tpu.memory_space<vmem>>
      tpu.wait_dma2 semaphore(%arg20 : memref<!tpu.dma_semaphore, #tpu.memory_space<semaphore_mem>>) src(%dma_wait3A_760 : memref<128x128xf32, #tpu.memory_space<vmem>>) dst(%dma_wait3A_756 : memref<128x128xf32, #tpu.memory_space<hbm>>)
      %sub3A_761 = arith.constant 1 : i32
      %sub3A_762 = arith.subi %add3A_745, %sub3A_761 : i32
      %add3A_763 = arith.constant 5 : i32
      %add3A_764 = arith.addi %sub3A_762, %add3A_763 : i32
      %mul3A_765 = arith.constant 128 : i32
      %mul3A_766 = arith.muli %add3A_764, %mul3A_765 : i32
      %dma_start3A_767 = arith.constant 3 : i32
      %dma_start3A_768 = arith.constant 0 : i32
      %dma_start3A_769 = arith.constant 0 : i32
      %dma_start3A_770 = tpu.memref_slice %arg10[%dma_start3A_767, %dma_start3A_768, %dma_start3A_769] : memref<5x128x128xf32, #tpu.memory_space<vmem>> -> memref<1x128x128xf32, #tpu.memory_space<vmem>>
      %dma_start3A_771 = tpu.memref_squeeze %dma_start3A_770 : memref<1x128x128xf32, #tpu.memory_space<vmem>> -> memref<128x128xf32, #tpu.memory_space<vmem>>
      %dma_start3A_772 = tpu.memref_slice %arg8[%mul3A_766] : memref<3200xi32, #tpu.memory_space<vmem>> -> memref<128xi32, #tpu.memory_space<vmem>>
      %dma_start3A_773 = arith.constant 0 : i32
      %dma_start3A_774 = arith.constant 0 : i32
      %dma_start3A_775 = tpu.memref_slice %arg4[%dma_start3A_773, %dma_start3A_774] : memref<100000x128xf32, #tpu.memory_space<hbm>> -> memref<100000x128xf32, #tpu.memory_space<hbm>>
      tpu.enqueue_indirect_dma source(%dma_start3A_775 : memref<100000x128xf32, #tpu.memory_space<hbm>>) target(%dma_start3A_771 : memref<128x128xf32, #tpu.memory_space<vmem>>) offsets(%dma_start3A_772 : memref<128xi32, #tpu.memory_space<vmem>>) semaphore(%arg15 : memref<!tpu.dma_semaphore, #tpu.memory_space<semaphore_mem>>)
      %dma_wait3A_776 = arith.constant 4 : i32
      %dma_wait3A_777 = arith.constant 0 : i32
      %dma_wait3A_778 = arith.constant 0 : i32
      %dma_wait3A_779 = tpu.memref_slice %arg10[%dma_wait3A_776, %dma_wait3A_777, %dma_wait3A_778] : memref<5x128x128xf32, #tpu.memory_space<vmem>> -> memref<1x128x128xf32, #tpu.memory_space<vmem>>
      %dma_wait3A_780 = tpu.memref_squeeze %dma_wait3A_779 : memref<1x128x128xf32, #tpu.memory_space<vmem>> -> memref<128x128xf32, #tpu.memory_space<vmem>>
      %dma_wait3A_781 = arith.constant 0 : i32
      %dma_wait3A_782 = tpu.memref_slice %arg8[%dma_wait3A_781] : memref<3200xi32, #tpu.memory_space<vmem>> -> memref<128xi32, #tpu.memory_space<vmem>>
      %dma_wait3A_783 = arith.constant 0 : i32
      %dma_wait3A_784 = arith.constant 0 : i32
      %dma_wait3A_785 = tpu.memref_slice %arg4[%dma_wait3A_783, %dma_wait3A_784] : memref<100000x128xf32, #tpu.memory_space<hbm>> -> memref<100000x128xf32, #tpu.memory_space<hbm>>
      tpu.wait_indirect_dma semaphore(%arg16 : memref<!tpu.dma_semaphore, #tpu.memory_space<semaphore_mem>>) src(%dma_wait3A_785 : memref<100000x128xf32, #tpu.memory_space<hbm>>) dst(%dma_wait3A_780 : memref<128x128xf32, #tpu.memory_space<vmem>>)
      %mul3A_786 = arith.constant 128 : i32
      %mul3A_787 = arith.muli %add3A_745, %mul3A_786 : i32
      %add3A_788 = arith.addi %mul3A_18, %mul3A_787 : i32
      %min3A_789 = arith.constant 99872 : i32
      %min3A_790 = arith.minsi %add3A_788, %min3A_789 : i32
      %dma_start3A_791 = arith.constant 4 : i32
      %dma_start3A_792 = arith.constant 0 : i32
      %dma_start3A_793 = arith.constant 0 : i32
      %dma_start3A_794 = tpu.memref_slice %arg10[%dma_start3A_791, %dma_start3A_792, %dma_start3A_793] : memref<5x128x128xf32, #tpu.memory_space<vmem>> -> memref<1x128x128xf32, #tpu.memory_space<vmem>>
      %dma_start3A_795 = tpu.memref_squeeze %dma_start3A_794 : memref<1x128x128xf32, #tpu.memory_space<vmem>> -> memref<128x128xf32, #tpu.memory_space<vmem>>
      %dma_start3A_796 = arith.constant 0 : i32
      %dma_start3A_797 = tpu.memref_slice %arg6[%min3A_790, %dma_start3A_796] : memref<100000x128xf32, #tpu.memory_space<hbm>> -> memref<128x128xf32, #tpu.memory_space<hbm>>
      %dma_start3A_798 = arith.constant 0 : i32
      %dma_start3A_799 = tpu.memref_slice %arg6[%min3A_790, %dma_start3A_798] : memref<100000x128xf32, #tpu.memory_space<hbm>> -> memref<128x128xf32, #tpu.memory_space<hbm>>
      %dma_start3A_800 = arith.constant 0 : i32
      %dma_start3A_801 = arith.constant 0 : i32
      %dma_start3A_802 = tpu.memref_slice %arg10[%dma_start3A_791, %dma_start3A_800, %dma_start3A_801] : memref<5x128x128xf32, #tpu.memory_space<vmem>> -> memref<1x128x128xf32, #tpu.memory_space<vmem>>
      %dma_start3A_803 = tpu.memref_squeeze %dma_start3A_802 : memref<1x128x128xf32, #tpu.memory_space<vmem>> -> memref<128x128xf32, #tpu.memory_space<vmem>>
      tpu.enqueue_dma source(%dma_start3A_803 : memref<128x128xf32, #tpu.memory_space<vmem>>) target(%dma_start3A_799 : memref<128x128xf32, #tpu.memory_space<hbm>>) target_semaphore(%arg21 : memref<!tpu.dma_semaphore, #tpu.memory_space<semaphore_mem>>)
      %add3A_804 = arith.constant 4 : i32
      %add3A_805 = arith.addi %mul3A_556, %add3A_804 : i32
      %add3A_806 = arith.constant 1 : i32
      %add3A_807 = arith.addi %add3A_805, %add3A_806 : i32
      %dma_wait3A_808 = arith.constant 4 : i32
      %dma_wait3A_809 = arith.constant 0 : i32
      %dma_wait3A_810 = arith.constant 0 : i32
      %dma_wait3A_811 = tpu.memref_slice %arg10[%dma_wait3A_808, %dma_wait3A_809, %dma_wait3A_810] : memref<5x128x128xf32, #tpu.memory_space<vmem>> -> memref<1x128x128xf32, #tpu.memory_space<vmem>>
      %dma_wait3A_812 = tpu.memref_squeeze %dma_wait3A_811 : memref<1x128x128xf32, #tpu.memory_space<vmem>> -> memref<128x128xf32, #tpu.memory_space<vmem>>
      %dma_wait3A_813 = arith.constant 0 : i32
      %dma_wait3A_814 = arith.constant 0 : i32
      %dma_wait3A_815 = tpu.memref_slice %arg6[%dma_wait3A_813, %dma_wait3A_814] : memref<100000x128xf32, #tpu.memory_space<hbm>> -> memref<128x128xf32, #tpu.memory_space<hbm>>
      %dma_wait3A_816 = arith.constant 0 : i32
      %dma_wait3A_817 = arith.constant 0 : i32
      %dma_wait3A_818 = tpu.memref_slice %arg6[%dma_wait3A_816, %dma_wait3A_817] : memref<100000x128xf32, #tpu.memory_space<hbm>> -> memref<128x128xf32, #tpu.memory_space<hbm>>
      %dma_wait3A_819 = arith.constant 0 : i32
      %dma_wait3A_820 = arith.constant 0 : i32
      %dma_wait3A_821 = tpu.memref_slice %arg10[%dma_wait3A_808, %dma_wait3A_819, %dma_wait3A_820] : memref<5x128x128xf32, #tpu.memory_space<vmem>> -> memref<1x128x128xf32, #tpu.memory_space<vmem>>
      %dma_wait3A_822 = tpu.memref_squeeze %dma_wait3A_821 : memref<1x128x128xf32, #tpu.memory_space<vmem>> -> memref<128x128xf32, #tpu.memory_space<vmem>>
      tpu.wait_dma2 semaphore(%arg21 : memref<!tpu.dma_semaphore, #tpu.memory_space<semaphore_mem>>) src(%dma_wait3A_822 : memref<128x128xf32, #tpu.memory_space<vmem>>) dst(%dma_wait3A_818 : memref<128x128xf32, #tpu.memory_space<hbm>>)
      %sub3A_823 = arith.constant 1 : i32
      %sub3A_824 = arith.subi %add3A_807, %sub3A_823 : i32
      %add3A_825 = arith.constant 5 : i32
      %add3A_826 = arith.addi %sub3A_824, %add3A_825 : i32
      %mul3A_827 = arith.constant 128 : i32
      %mul3A_828 = arith.muli %add3A_826, %mul3A_827 : i32
      %dma_start3A_829 = arith.constant 4 : i32
      %dma_start3A_830 = arith.constant 0 : i32
      %dma_start3A_831 = arith.constant 0 : i32
      %dma_start3A_832 = tpu.memref_slice %arg10[%dma_start3A_829, %dma_start3A_830, %dma_start3A_831] : memref<5x128x128xf32, #tpu.memory_space<vmem>> -> memref<1x128x128xf32, #tpu.memory_space<vmem>>
      %dma_start3A_833 = tpu.memref_squeeze %dma_start3A_832 : memref<1x128x128xf32, #tpu.memory_space<vmem>> -> memref<128x128xf32, #tpu.memory_space<vmem>>
      %dma_start3A_834 = tpu.memref_slice %arg8[%mul3A_828] : memref<3200xi32, #tpu.memory_space<vmem>> -> memref<128xi32, #tpu.memory_space<vmem>>
      %dma_start3A_835 = arith.constant 0 : i32
      %dma_start3A_836 = arith.constant 0 : i32
      %dma_start3A_837 = tpu.memref_slice %arg4[%dma_start3A_835, %dma_start3A_836] : memref<100000x128xf32, #tpu.memory_space<hbm>> -> memref<100000x128xf32, #tpu.memory_space<hbm>>
      tpu.enqueue_indirect_dma source(%dma_start3A_837 : memref<100000x128xf32, #tpu.memory_space<hbm>>) target(%dma_start3A_833 : memref<128x128xf32, #tpu.memory_space<vmem>>) offsets(%dma_start3A_834 : memref<128xi32, #tpu.memory_space<vmem>>) semaphore(%arg16 : memref<!tpu.dma_semaphore, #tpu.memory_space<semaphore_mem>>)
      %dma_wait3A_838 = arith.constant 0 : i32
      %dma_wait3A_839 = arith.constant 0 : i32
      %dma_wait3A_840 = arith.constant 0 : i32
      %dma_wait3A_841 = tpu.memref_slice %arg10[%dma_wait3A_838, %dma_wait3A_839, %dma_wait3A_840] : memref<5x128x128xf32, #tpu.memory_space<vmem>> -> memref<1x128x128xf32, #tpu.memory_space<vmem>>
      %dma_wait3A_842 = tpu.memref_squeeze %dma_wait3A_841 : memref<1x128x128xf32, #tpu.memory_space<vmem>> -> memref<128x128xf32, #tpu.memory_space<vmem>>
      %dma_wait3A_843 = arith.constant 0 : i32
      %dma_wait3A_844 = tpu.memref_slice %arg8[%dma_wait3A_843] : memref<3200xi32, #tpu.memory_space<vmem>> -> memref<128xi32, #tpu.memory_space<vmem>>
      %dma_wait3A_845 = arith.constant 0 : i32
      %dma_wait3A_846 = arith.constant 0 : i32
      %dma_wait3A_847 = tpu.memref_slice %arg4[%dma_wait3A_845, %dma_wait3A_846] : memref<100000x128xf32, #tpu.memory_space<hbm>> -> memref<100000x128xf32, #tpu.memory_space<hbm>>
      tpu.wait_indirect_dma semaphore(%arg12 : memref<!tpu.dma_semaphore, #tpu.memory_space<semaphore_mem>>) src(%dma_wait3A_847 : memref<100000x128xf32, #tpu.memory_space<hbm>>) dst(%dma_wait3A_842 : memref<128x128xf32, #tpu.memory_space<vmem>>)
      %mul3A_848 = arith.constant 128 : i32
      %mul3A_849 = arith.muli %add3A_807, %mul3A_848 : i32
      %add3A_850 = arith.addi %mul3A_18, %mul3A_849 : i32
      %min3A_851 = arith.constant 99872 : i32
      %min3A_852 = arith.minsi %add3A_850, %min3A_851 : i32
      %dma_start3A_853 = arith.constant 0 : i32
      %dma_start3A_854 = arith.constant 0 : i32
      %dma_start3A_855 = arith.constant 0 : i32
      %dma_start3A_856 = tpu.memref_slice %arg10[%dma_start3A_853, %dma_start3A_854, %dma_start3A_855] : memref<5x128x128xf32, #tpu.memory_space<vmem>> -> memref<1x128x128xf32, #tpu.memory_space<vmem>>
      %dma_start3A_857 = tpu.memref_squeeze %dma_start3A_856 : memref<1x128x128xf32, #tpu.memory_space<vmem>> -> memref<128x128xf32, #tpu.memory_space<vmem>>
      %dma_start3A_858 = arith.constant 0 : i32
      %dma_start3A_859 = tpu.memref_slice %arg6[%min3A_852, %dma_start3A_858] : memref<100000x128xf32, #tpu.memory_space<hbm>> -> memref<128x128xf32, #tpu.memory_space<hbm>>
      %dma_start3A_860 = arith.constant 0 : i32
      %dma_start3A_861 = tpu.memref_slice %arg6[%min3A_852, %dma_start3A_860] : memref<100000x128xf32, #tpu.memory_space<hbm>> -> memref<128x128xf32, #tpu.memory_space<hbm>>
      %dma_start3A_862 = arith.constant 0 : i32
      %dma_start3A_863 = arith.constant 0 : i32
      %dma_start3A_864 = tpu.memref_slice %arg10[%dma_start3A_853, %dma_start3A_862, %dma_start3A_863] : memref<5x128x128xf32, #tpu.memory_space<vmem>> -> memref<1x128x128xf32, #tpu.memory_space<vmem>>
      %dma_start3A_865 = tpu.memref_squeeze %dma_start3A_864 : memref<1x128x128xf32, #tpu.memory_space<vmem>> -> memref<128x128xf32, #tpu.memory_space<vmem>>
      tpu.enqueue_dma source(%dma_start3A_865 : memref<128x128xf32, #tpu.memory_space<vmem>>) target(%dma_start3A_861 : memref<128x128xf32, #tpu.memory_space<hbm>>) target_semaphore(%arg17 : memref<!tpu.dma_semaphore, #tpu.memory_space<semaphore_mem>>)
      %scan3A_866 = arith.constant 0 : i32
      scf.yield %scan3A_866 : i32
    }
    %scan3A_100 = arith.constant 4 : i32
    %dma_wait3A_101 = arith.constant 0 : i32
    %dma_wait3A_102 = arith.constant 0 : i32
    %dma_wait3A_103 = arith.constant 0 : i32
    %dma_wait3A_104 = tpu.memref_slice %arg10[%dma_wait3A_101, %dma_wait3A_102, %dma_wait3A_103] : memref<5x128x128xf32, #tpu.memory_space<vmem>> -> memref<1x128x128xf32, #tpu.memory_space<vmem>>
    %dma_wait3A_105 = tpu.memref_squeeze %dma_wait3A_104 : memref<1x128x128xf32, #tpu.memory_space<vmem>> -> memref<128x128xf32, #tpu.memory_space<vmem>>
    %dma_wait3A_106 = arith.constant 0 : i32
    %dma_wait3A_107 = arith.constant 0 : i32
    %dma_wait3A_108 = tpu.memref_slice %arg6[%dma_wait3A_106, %dma_wait3A_107] : memref<100000x128xf32, #tpu.memory_space<hbm>> -> memref<128x128xf32, #tpu.memory_space<hbm>>
    %dma_wait3A_109 = arith.constant 0 : i32
    %dma_wait3A_110 = arith.constant 0 : i32
    %dma_wait3A_111 = tpu.memref_slice %arg6[%dma_wait3A_109, %dma_wait3A_110] : memref<100000x128xf32, #tpu.memory_space<hbm>> -> memref<128x128xf32, #tpu.memory_space<hbm>>
    %dma_wait3A_112 = arith.constant 0 : i32
    %dma_wait3A_113 = arith.constant 0 : i32
    %dma_wait3A_114 = tpu.memref_slice %arg10[%dma_wait3A_101, %dma_wait3A_112, %dma_wait3A_113] : memref<5x128x128xf32, #tpu.memory_space<vmem>> -> memref<1x128x128xf32, #tpu.memory_space<vmem>>
    %dma_wait3A_115 = tpu.memref_squeeze %dma_wait3A_114 : memref<1x128x128xf32, #tpu.memory_space<vmem>> -> memref<128x128xf32, #tpu.memory_space<vmem>>
    tpu.wait_dma2 semaphore(%arg17 : memref<!tpu.dma_semaphore, #tpu.memory_space<semaphore_mem>>) src(%dma_wait3A_115 : memref<128x128xf32, #tpu.memory_space<vmem>>) dst(%dma_wait3A_111 : memref<128x128xf32, #tpu.memory_space<hbm>>)
    %dma_wait3A_116 = arith.constant 1 : i32
    %dma_wait3A_117 = arith.constant 0 : i32
    %dma_wait3A_118 = arith.constant 0 : i32
    %dma_wait3A_119 = tpu.memref_slice %arg10[%dma_wait3A_116, %dma_wait3A_117, %dma_wait3A_118] : memref<5x128x128xf32, #tpu.memory_space<vmem>> -> memref<1x128x128xf32, #tpu.memory_space<vmem>>
    %dma_wait3A_120 = tpu.memref_squeeze %dma_wait3A_119 : memref<1x128x128xf32, #tpu.memory_space<vmem>> -> memref<128x128xf32, #tpu.memory_space<vmem>>
    %dma_wait3A_121 = arith.constant 0 : i32
    %dma_wait3A_122 = tpu.memref_slice %arg8[%dma_wait3A_121] : memref<3200xi32, #tpu.memory_space<vmem>> -> memref<128xi32, #tpu.memory_space<vmem>>
    %dma_wait3A_123 = arith.constant 0 : i32
    %dma_wait3A_124 = arith.constant 0 : i32
    %dma_wait3A_125 = tpu.memref_slice %arg4[%dma_wait3A_123, %dma_wait3A_124] : memref<100000x128xf32, #tpu.memory_space<hbm>> -> memref<100000x128xf32, #tpu.memory_space<hbm>>
    tpu.wait_indirect_dma semaphore(%arg13 : memref<!tpu.dma_semaphore, #tpu.memory_space<semaphore_mem>>) src(%dma_wait3A_125 : memref<100000x128xf32, #tpu.memory_space<hbm>>) dst(%dma_wait3A_120 : memref<128x128xf32, #tpu.memory_space<vmem>>)
    %add3A_126 = arith.constant 2688 : i32
    %add3A_127 = arith.addi %mul3A_18, %add3A_126 : i32
    %min3A_128 = arith.constant 99872 : i32
    %min3A_129 = arith.minsi %add3A_127, %min3A_128 : i32
    %dma_start3A_130 = arith.constant 1 : i32
    %dma_start3A_131 = arith.constant 0 : i32
    %dma_start3A_132 = arith.constant 0 : i32
    %dma_start3A_133 = tpu.memref_slice %arg10[%dma_start3A_130, %dma_start3A_131, %dma_start3A_132] : memref<5x128x128xf32, #tpu.memory_space<vmem>> -> memref<1x128x128xf32, #tpu.memory_space<vmem>>
    %dma_start3A_134 = tpu.memref_squeeze %dma_start3A_133 : memref<1x128x128xf32, #tpu.memory_space<vmem>> -> memref<128x128xf32, #tpu.memory_space<vmem>>
    %dma_start3A_135 = arith.constant 0 : i32
    %dma_start3A_136 = tpu.memref_slice %arg6[%min3A_129, %dma_start3A_135] : memref<100000x128xf32, #tpu.memory_space<hbm>> -> memref<128x128xf32, #tpu.memory_space<hbm>>
    %dma_start3A_137 = arith.constant 0 : i32
    %dma_start3A_138 = tpu.memref_slice %arg6[%min3A_129, %dma_start3A_137] : memref<100000x128xf32, #tpu.memory_space<hbm>> -> memref<128x128xf32, #tpu.memory_space<hbm>>
    %dma_start3A_139 = arith.constant 0 : i32
    %dma_start3A_140 = arith.constant 0 : i32
    %dma_start3A_141 = tpu.memref_slice %arg10[%dma_start3A_130, %dma_start3A_139, %dma_start3A_140] : memref<5x128x128xf32, #tpu.memory_space<vmem>> -> memref<1x128x128xf32, #tpu.memory_space<vmem>>
    %dma_start3A_142 = tpu.memref_squeeze %dma_start3A_141 : memref<1x128x128xf32, #tpu.memory_space<vmem>> -> memref<128x128xf32, #tpu.memory_space<vmem>>
    tpu.enqueue_dma source(%dma_start3A_142 : memref<128x128xf32, #tpu.memory_space<vmem>>) target(%dma_start3A_138 : memref<128x128xf32, #tpu.memory_space<hbm>>) target_semaphore(%arg18 : memref<!tpu.dma_semaphore, #tpu.memory_space<semaphore_mem>>)
    %dma_wait3A_143 = arith.constant 1 : i32
    %dma_wait3A_144 = arith.constant 0 : i32
    %dma_wait3A_145 = arith.constant 0 : i32
    %dma_wait3A_146 = tpu.memref_slice %arg10[%dma_wait3A_143, %dma_wait3A_144, %dma_wait3A_145] : memref<5x128x128xf32, #tpu.memory_space<vmem>> -> memref<1x128x128xf32, #tpu.memory_space<vmem>>
    %dma_wait3A_147 = tpu.memref_squeeze %dma_wait3A_146 : memref<1x128x128xf32, #tpu.memory_space<vmem>> -> memref<128x128xf32, #tpu.memory_space<vmem>>
    %dma_wait3A_148 = arith.constant 0 : i32
    %dma_wait3A_149 = arith.constant 0 : i32
    %dma_wait3A_150 = tpu.memref_slice %arg6[%dma_wait3A_148, %dma_wait3A_149] : memref<100000x128xf32, #tpu.memory_space<hbm>> -> memref<128x128xf32, #tpu.memory_space<hbm>>
    %dma_wait3A_151 = arith.constant 0 : i32
    %dma_wait3A_152 = arith.constant 0 : i32
    %dma_wait3A_153 = tpu.memref_slice %arg6[%dma_wait3A_151, %dma_wait3A_152] : memref<100000x128xf32, #tpu.memory_space<hbm>> -> memref<128x128xf32, #tpu.memory_space<hbm>>
    %dma_wait3A_154 = arith.constant 0 : i32
    %dma_wait3A_155 = arith.constant 0 : i32
    %dma_wait3A_156 = tpu.memref_slice %arg10[%dma_wait3A_143, %dma_wait3A_154, %dma_wait3A_155] : memref<5x128x128xf32, #tpu.memory_space<vmem>> -> memref<1x128x128xf32, #tpu.memory_space<vmem>>
    %dma_wait3A_157 = tpu.memref_squeeze %dma_wait3A_156 : memref<1x128x128xf32, #tpu.memory_space<vmem>> -> memref<128x128xf32, #tpu.memory_space<vmem>>
    tpu.wait_dma2 semaphore(%arg18 : memref<!tpu.dma_semaphore, #tpu.memory_space<semaphore_mem>>) src(%dma_wait3A_157 : memref<128x128xf32, #tpu.memory_space<vmem>>) dst(%dma_wait3A_153 : memref<128x128xf32, #tpu.memory_space<hbm>>)
    %dma_wait3A_158 = arith.constant 2 : i32
    %dma_wait3A_159 = arith.constant 0 : i32
    %dma_wait3A_160 = arith.constant 0 : i32
    %dma_wait3A_161 = tpu.memref_slice %arg10[%dma_wait3A_158, %dma_wait3A_159, %dma_wait3A_160] : memref<5x128x128xf32, #tpu.memory_space<vmem>> -> memref<1x128x128xf32, #tpu.memory_space<vmem>>
    %dma_wait3A_162 = tpu.memref_squeeze %dma_wait3A_161 : memref<1x128x128xf32, #tpu.memory_space<vmem>> -> memref<128x128xf32, #tpu.memory_space<vmem>>
    %dma_wait3A_163 = arith.constant 0 : i32
    %dma_wait3A_164 = tpu.memref_slice %arg8[%dma_wait3A_163] : memref<3200xi32, #tpu.memory_space<vmem>> -> memref<128xi32, #tpu.memory_space<vmem>>
    %dma_wait3A_165 = arith.constant 0 : i32
    %dma_wait3A_166 = arith.constant 0 : i32
    %dma_wait3A_167 = tpu.memref_slice %arg4[%dma_wait3A_165, %dma_wait3A_166] : memref<100000x128xf32, #tpu.memory_space<hbm>> -> memref<100000x128xf32, #tpu.memory_space<hbm>>
    tpu.wait_indirect_dma semaphore(%arg14 : memref<!tpu.dma_semaphore, #tpu.memory_space<semaphore_mem>>) src(%dma_wait3A_167 : memref<100000x128xf32, #tpu.memory_space<hbm>>) dst(%dma_wait3A_162 : memref<128x128xf32, #tpu.memory_space<vmem>>)
    %add3A_168 = arith.constant 2816 : i32
    %add3A_169 = arith.addi %mul3A_18, %add3A_168 : i32
    %min3A_170 = arith.constant 99872 : i32
    %min3A_171 = arith.minsi %add3A_169, %min3A_170 : i32
    %dma_start3A_172 = arith.constant 2 : i32
    %dma_start3A_173 = arith.constant 0 : i32
    %dma_start3A_174 = arith.constant 0 : i32
    %dma_start3A_175 = tpu.memref_slice %arg10[%dma_start3A_172, %dma_start3A_173, %dma_start3A_174] : memref<5x128x128xf32, #tpu.memory_space<vmem>> -> memref<1x128x128xf32, #tpu.memory_space<vmem>>
    %dma_start3A_176 = tpu.memref_squeeze %dma_start3A_175 : memref<1x128x128xf32, #tpu.memory_space<vmem>> -> memref<128x128xf32, #tpu.memory_space<vmem>>
    %dma_start3A_177 = arith.constant 0 : i32
    %dma_start3A_178 = tpu.memref_slice %arg6[%min3A_171, %dma_start3A_177] : memref<100000x128xf32, #tpu.memory_space<hbm>> -> memref<128x128xf32, #tpu.memory_space<hbm>>
    %dma_start3A_179 = arith.constant 0 : i32
    %dma_start3A_180 = tpu.memref_slice %arg6[%min3A_171, %dma_start3A_179] : memref<100000x128xf32, #tpu.memory_space<hbm>> -> memref<128x128xf32, #tpu.memory_space<hbm>>
    %dma_start3A_181 = arith.constant 0 : i32
    %dma_start3A_182 = arith.constant 0 : i32
    %dma_start3A_183 = tpu.memref_slice %arg10[%dma_start3A_172, %dma_start3A_181, %dma_start3A_182] : memref<5x128x128xf32, #tpu.memory_space<vmem>> -> memref<1x128x128xf32, #tpu.memory_space<vmem>>
    %dma_start3A_184 = tpu.memref_squeeze %dma_start3A_183 : memref<1x128x128xf32, #tpu.memory_space<vmem>> -> memref<128x128xf32, #tpu.memory_space<vmem>>
    tpu.enqueue_dma source(%dma_start3A_184 : memref<128x128xf32, #tpu.memory_space<vmem>>) target(%dma_start3A_180 : memref<128x128xf32, #tpu.memory_space<hbm>>) target_semaphore(%arg19 : memref<!tpu.dma_semaphore, #tpu.memory_space<semaphore_mem>>)
    %dma_wait3A_185 = arith.constant 2 : i32
    %dma_wait3A_186 = arith.constant 0 : i32
    %dma_wait3A_187 = arith.constant 0 : i32
    %dma_wait3A_188 = tpu.memref_slice %arg10[%dma_wait3A_185, %dma_wait3A_186, %dma_wait3A_187] : memref<5x128x128xf32, #tpu.memory_space<vmem>> -> memref<1x128x128xf32, #tpu.memory_space<vmem>>
    %dma_wait3A_189 = tpu.memref_squeeze %dma_wait3A_188 : memref<1x128x128xf32, #tpu.memory_space<vmem>> -> memref<128x128xf32, #tpu.memory_space<vmem>>
    %dma_wait3A_190 = arith.constant 0 : i32
    %dma_wait3A_191 = arith.constant 0 : i32
    %dma_wait3A_192 = tpu.memref_slice %arg6[%dma_wait3A_190, %dma_wait3A_191] : memref<100000x128xf32, #tpu.memory_space<hbm>> -> memref<128x128xf32, #tpu.memory_space<hbm>>
    %dma_wait3A_193 = arith.constant 0 : i32
    %dma_wait3A_194 = arith.constant 0 : i32
    %dma_wait3A_195 = tpu.memref_slice %arg6[%dma_wait3A_193, %dma_wait3A_194] : memref<100000x128xf32, #tpu.memory_space<hbm>> -> memref<128x128xf32, #tpu.memory_space<hbm>>
    %dma_wait3A_196 = arith.constant 0 : i32
    %dma_wait3A_197 = arith.constant 0 : i32
    %dma_wait3A_198 = tpu.memref_slice %arg10[%dma_wait3A_185, %dma_wait3A_196, %dma_wait3A_197] : memref<5x128x128xf32, #tpu.memory_space<vmem>> -> memref<1x128x128xf32, #tpu.memory_space<vmem>>
    %dma_wait3A_199 = tpu.memref_squeeze %dma_wait3A_198 : memref<1x128x128xf32, #tpu.memory_space<vmem>> -> memref<128x128xf32, #tpu.memory_space<vmem>>
    tpu.wait_dma2 semaphore(%arg19 : memref<!tpu.dma_semaphore, #tpu.memory_space<semaphore_mem>>) src(%dma_wait3A_199 : memref<128x128xf32, #tpu.memory_space<vmem>>) dst(%dma_wait3A_195 : memref<128x128xf32, #tpu.memory_space<hbm>>)
    %dma_wait3A_200 = arith.constant 3 : i32
    %dma_wait3A_201 = arith.constant 0 : i32
    %dma_wait3A_202 = arith.constant 0 : i32
    %dma_wait3A_203 = tpu.memref_slice %arg10[%dma_wait3A_200, %dma_wait3A_201, %dma_wait3A_202] : memref<5x128x128xf32, #tpu.memory_space<vmem>> -> memref<1x128x128xf32, #tpu.memory_space<vmem>>
    %dma_wait3A_204 = tpu.memref_squeeze %dma_wait3A_203 : memref<1x128x128xf32, #tpu.memory_space<vmem>> -> memref<128x128xf32, #tpu.memory_space<vmem>>
    %dma_wait3A_205 = arith.constant 0 : i32
    %dma_wait3A_206 = tpu.memref_slice %arg8[%dma_wait3A_205] : memref<3200xi32, #tpu.memory_space<vmem>> -> memref<128xi32, #tpu.memory_space<vmem>>
    %dma_wait3A_207 = arith.constant 0 : i32
    %dma_wait3A_208 = arith.constant 0 : i32
    %dma_wait3A_209 = tpu.memref_slice %arg4[%dma_wait3A_207, %dma_wait3A_208] : memref<100000x128xf32, #tpu.memory_space<hbm>> -> memref<100000x128xf32, #tpu.memory_space<hbm>>
    tpu.wait_indirect_dma semaphore(%arg15 : memref<!tpu.dma_semaphore, #tpu.memory_space<semaphore_mem>>) src(%dma_wait3A_209 : memref<100000x128xf32, #tpu.memory_space<hbm>>) dst(%dma_wait3A_204 : memref<128x128xf32, #tpu.memory_space<vmem>>)
    %add3A_210 = arith.constant 2944 : i32
    %add3A_211 = arith.addi %mul3A_18, %add3A_210 : i32
    %min3A_212 = arith.constant 99872 : i32
    %min3A_213 = arith.minsi %add3A_211, %min3A_212 : i32
    %dma_start3A_214 = arith.constant 3 : i32
    %dma_start3A_215 = arith.constant 0 : i32
    %dma_start3A_216 = arith.constant 0 : i32
    %dma_start3A_217 = tpu.memref_slice %arg10[%dma_start3A_214, %dma_start3A_215, %dma_start3A_216] : memref<5x128x128xf32, #tpu.memory_space<vmem>> -> memref<1x128x128xf32, #tpu.memory_space<vmem>>
    %dma_start3A_218 = tpu.memref_squeeze %dma_start3A_217 : memref<1x128x128xf32, #tpu.memory_space<vmem>> -> memref<128x128xf32, #tpu.memory_space<vmem>>
    %dma_start3A_219 = arith.constant 0 : i32
    %dma_start3A_220 = tpu.memref_slice %arg6[%min3A_213, %dma_start3A_219] : memref<100000x128xf32, #tpu.memory_space<hbm>> -> memref<128x128xf32, #tpu.memory_space<hbm>>
    %dma_start3A_221 = arith.constant 0 : i32
    %dma_start3A_222 = tpu.memref_slice %arg6[%min3A_213, %dma_start3A_221] : memref<100000x128xf32, #tpu.memory_space<hbm>> -> memref<128x128xf32, #tpu.memory_space<hbm>>
    %dma_start3A_223 = arith.constant 0 : i32
    %dma_start3A_224 = arith.constant 0 : i32
    %dma_start3A_225 = tpu.memref_slice %arg10[%dma_start3A_214, %dma_start3A_223, %dma_start3A_224] : memref<5x128x128xf32, #tpu.memory_space<vmem>> -> memref<1x128x128xf32, #tpu.memory_space<vmem>>
    %dma_start3A_226 = tpu.memref_squeeze %dma_start3A_225 : memref<1x128x128xf32, #tpu.memory_space<vmem>> -> memref<128x128xf32, #tpu.memory_space<vmem>>
    tpu.enqueue_dma source(%dma_start3A_226 : memref<128x128xf32, #tpu.memory_space<vmem>>) target(%dma_start3A_222 : memref<128x128xf32, #tpu.memory_space<hbm>>) target_semaphore(%arg20 : memref<!tpu.dma_semaphore, #tpu.memory_space<semaphore_mem>>)
    %dma_wait3A_227 = arith.constant 3 : i32
    %dma_wait3A_228 = arith.constant 0 : i32
    %dma_wait3A_229 = arith.constant 0 : i32
    %dma_wait3A_230 = tpu.memref_slice %arg10[%dma_wait3A_227, %dma_wait3A_228, %dma_wait3A_229] : memref<5x128x128xf32, #tpu.memory_space<vmem>> -> memref<1x128x128xf32, #tpu.memory_space<vmem>>
    %dma_wait3A_231 = tpu.memref_squeeze %dma_wait3A_230 : memref<1x128x128xf32, #tpu.memory_space<vmem>> -> memref<128x128xf32, #tpu.memory_space<vmem>>
    %dma_wait3A_232 = arith.constant 0 : i32
    %dma_wait3A_233 = arith.constant 0 : i32
    %dma_wait3A_234 = tpu.memref_slice %arg6[%dma_wait3A_232, %dma_wait3A_233] : memref<100000x128xf32, #tpu.memory_space<hbm>> -> memref<128x128xf32, #tpu.memory_space<hbm>>
    %dma_wait3A_235 = arith.constant 0 : i32
    %dma_wait3A_236 = arith.constant 0 : i32
    %dma_wait3A_237 = tpu.memref_slice %arg6[%dma_wait3A_235, %dma_wait3A_236] : memref<100000x128xf32, #tpu.memory_space<hbm>> -> memref<128x128xf32, #tpu.memory_space<hbm>>
    %dma_wait3A_238 = arith.constant 0 : i32
    %dma_wait3A_239 = arith.constant 0 : i32
    %dma_wait3A_240 = tpu.memref_slice %arg10[%dma_wait3A_227, %dma_wait3A_238, %dma_wait3A_239] : memref<5x128x128xf32, #tpu.memory_space<vmem>> -> memref<1x128x128xf32, #tpu.memory_space<vmem>>
    %dma_wait3A_241 = tpu.memref_squeeze %dma_wait3A_240 : memref<1x128x128xf32, #tpu.memory_space<vmem>> -> memref<128x128xf32, #tpu.memory_space<vmem>>
    tpu.wait_dma2 semaphore(%arg20 : memref<!tpu.dma_semaphore, #tpu.memory_space<semaphore_mem>>) src(%dma_wait3A_241 : memref<128x128xf32, #tpu.memory_space<vmem>>) dst(%dma_wait3A_237 : memref<128x128xf32, #tpu.memory_space<hbm>>)
    %dma_wait3A_242 = arith.constant 4 : i32
    %dma_wait3A_243 = arith.constant 0 : i32
    %dma_wait3A_244 = arith.constant 0 : i32
    %dma_wait3A_245 = tpu.memref_slice %arg10[%dma_wait3A_242, %dma_wait3A_243, %dma_wait3A_244] : memref<5x128x128xf32, #tpu.memory_space<vmem>> -> memref<1x128x128xf32, #tpu.memory_space<vmem>>
    %dma_wait3A_246 = tpu.memref_squeeze %dma_wait3A_245 : memref<1x128x128xf32, #tpu.memory_space<vmem>> -> memref<128x128xf32, #tpu.memory_space<vmem>>
    %dma_wait3A_247 = arith.constant 0 : i32
    %dma_wait3A_248 = tpu.memref_slice %arg8[%dma_wait3A_247] : memref<3200xi32, #tpu.memory_space<vmem>> -> memref<128xi32, #tpu.memory_space<vmem>>
    %dma_wait3A_249 = arith.constant 0 : i32
    %dma_wait3A_250 = arith.constant 0 : i32
    %dma_wait3A_251 = tpu.memref_slice %arg4[%dma_wait3A_249, %dma_wait3A_250] : memref<100000x128xf32, #tpu.memory_space<hbm>> -> memref<100000x128xf32, #tpu.memory_space<hbm>>
    tpu.wait_indirect_dma semaphore(%arg16 : memref<!tpu.dma_semaphore, #tpu.memory_space<semaphore_mem>>) src(%dma_wait3A_251 : memref<100000x128xf32, #tpu.memory_space<hbm>>) dst(%dma_wait3A_246 : memref<128x128xf32, #tpu.memory_space<vmem>>)
    %add3A_252 = arith.constant 3072 : i32
    %add3A_253 = arith.addi %mul3A_18, %add3A_252 : i32
    %min3A_254 = arith.constant 99872 : i32
    %min3A_255 = arith.minsi %add3A_253, %min3A_254 : i32
    %dma_start3A_256 = arith.constant 4 : i32
    %dma_start3A_257 = arith.constant 0 : i32
    %dma_start3A_258 = arith.constant 0 : i32
    %dma_start3A_259 = tpu.memref_slice %arg10[%dma_start3A_256, %dma_start3A_257, %dma_start3A_258] : memref<5x128x128xf32, #tpu.memory_space<vmem>> -> memref<1x128x128xf32, #tpu.memory_space<vmem>>
    %dma_start3A_260 = tpu.memref_squeeze %dma_start3A_259 : memref<1x128x128xf32, #tpu.memory_space<vmem>> -> memref<128x128xf32, #tpu.memory_space<vmem>>
    %dma_start3A_261 = arith.constant 0 : i32
    %dma_start3A_262 = tpu.memref_slice %arg6[%min3A_255, %dma_start3A_261] : memref<100000x128xf32, #tpu.memory_space<hbm>> -> memref<128x128xf32, #tpu.memory_space<hbm>>
    %dma_start3A_263 = arith.constant 0 : i32
    %dma_start3A_264 = tpu.memref_slice %arg6[%min3A_255, %dma_start3A_263] : memref<100000x128xf32, #tpu.memory_space<hbm>> -> memref<128x128xf32, #tpu.memory_space<hbm>>
    %dma_start3A_265 = arith.constant 0 : i32
    %dma_start3A_266 = arith.constant 0 : i32
    %dma_start3A_267 = tpu.memref_slice %arg10[%dma_start3A_256, %dma_start3A_265, %dma_start3A_266] : memref<5x128x128xf32, #tpu.memory_space<vmem>> -> memref<1x128x128xf32, #tpu.memory_space<vmem>>
    %dma_start3A_268 = tpu.memref_squeeze %dma_start3A_267 : memref<1x128x128xf32, #tpu.memory_space<vmem>> -> memref<128x128xf32, #tpu.memory_space<vmem>>
    tpu.enqueue_dma source(%dma_start3A_268 : memref<128x128xf32, #tpu.memory_space<vmem>>) target(%dma_start3A_264 : memref<128x128xf32, #tpu.memory_space<hbm>>) target_semaphore(%arg21 : memref<!tpu.dma_semaphore, #tpu.memory_space<semaphore_mem>>)
    %dma_wait3A_269 = arith.constant 4 : i32
    %dma_wait3A_270 = arith.constant 0 : i32
    %dma_wait3A_271 = arith.constant 0 : i32
    %dma_wait3A_272 = tpu.memref_slice %arg10[%dma_wait3A_269, %dma_wait3A_270, %dma_wait3A_271] : memref<5x128x128xf32, #tpu.memory_space<vmem>> -> memref<1x128x128xf32, #tpu.memory_space<vmem>>
    %dma_wait3A_273 = tpu.memref_squeeze %dma_wait3A_272 : memref<1x128x128xf32, #tpu.memory_space<vmem>> -> memref<128x128xf32, #tpu.memory_space<vmem>>
    %dma_wait3A_274 = arith.constant 0 : i32
    %dma_wait3A_275 = arith.constant 0 : i32
    %dma_wait3A_276 = tpu.memref_slice %arg6[%dma_wait3A_274, %dma_wait3A_275] : memref<100000x128xf32, #tpu.memory_space<hbm>> -> memref<128x128xf32, #tpu.memory_space<hbm>>
    %dma_wait3A_277 = arith.constant 0 : i32
    %dma_wait3A_278 = arith.constant 0 : i32
    %dma_wait3A_279 = tpu.memref_slice %arg6[%dma_wait3A_277, %dma_wait3A_278] : memref<100000x128xf32, #tpu.memory_space<hbm>> -> memref<128x128xf32, #tpu.memory_space<hbm>>
    %dma_wait3A_280 = arith.constant 0 : i32
    %dma_wait3A_281 = arith.constant 0 : i32
    %dma_wait3A_282 = tpu.memref_slice %arg10[%dma_wait3A_269, %dma_wait3A_280, %dma_wait3A_281] : memref<5x128x128xf32, #tpu.memory_space<vmem>> -> memref<1x128x128xf32, #tpu.memory_space<vmem>>
    %dma_wait3A_283 = tpu.memref_squeeze %dma_wait3A_282 : memref<1x128x128xf32, #tpu.memory_space<vmem>> -> memref<128x128xf32, #tpu.memory_space<vmem>>
    tpu.wait_dma2 semaphore(%arg21 : memref<!tpu.dma_semaphore, #tpu.memory_space<semaphore_mem>>) src(%dma_wait3A_283 : memref<128x128xf32, #tpu.memory_space<vmem>>) dst(%dma_wait3A_279 : memref<128x128xf32, #tpu.memory_space<hbm>>)
    %mul3A_284 = arith.constant 10240 : i32
    %mul3A_285 = arith.muli %add3A, %mul3A_284 : i32
    %dma_start3A_286 = arith.constant 0 : i32
    %dma_start3A_287 = arith.constant 0 : i32
    %dma_start3A_288 = arith.constant 0 : i32
    %dma_start3A_289 = tpu.memref_slice %arg10[%dma_start3A_286, %dma_start3A_287, %dma_start3A_288] : memref<5x128x128xf32, #tpu.memory_space<vmem>> -> memref<1x128x128xf32, #tpu.memory_space<vmem>>
    %dma_start3A_290 = tpu.memref_squeeze %dma_start3A_289 : memref<1x128x128xf32, #tpu.memory_space<vmem>> -> memref<128x128xf32, #tpu.memory_space<vmem>>
    %dma_start3A_291 = arith.constant 0 : i32
    %dma_start3A_292 = tpu.memref_slice %arg9[%dma_start3A_291] : memref<10240xi32, #tpu.memory_space<vmem>> -> memref<128xi32, #tpu.memory_space<vmem>>
    %dma_start3A_293 = arith.constant 0 : i32
    %dma_start3A_294 = arith.constant 0 : i32
    %dma_start3A_295 = tpu.memref_slice %arg11[%dma_start3A_293, %dma_start3A_294] : memref<64x128xf32, #tpu.memory_space<vmem_shared>> -> memref<64x128xf32, #tpu.memory_space<vmem_shared>>
    tpu.enqueue_indirect_dma source(%dma_start3A_295 : memref<64x128xf32, #tpu.memory_space<vmem_shared>>) target(%dma_start3A_290 : memref<128x128xf32, #tpu.memory_space<vmem>>) offsets(%dma_start3A_292 : memref<128xi32, #tpu.memory_space<vmem>>) semaphore(%arg12 : memref<!tpu.dma_semaphore, #tpu.memory_space<semaphore_mem>>)
    %dma_start3A_296 = arith.constant 1 : i32
    %dma_start3A_297 = arith.constant 0 : i32
    %dma_start3A_298 = arith.constant 0 : i32
    %dma_start3A_299 = tpu.memref_slice %arg10[%dma_start3A_296, %dma_start3A_297, %dma_start3A_298] : memref<5x128x128xf32, #tpu.memory_space<vmem>> -> memref<1x128x128xf32, #tpu.memory_space<vmem>>
    %dma_start3A_300 = tpu.memref_squeeze %dma_start3A_299 : memref<1x128x128xf32, #tpu.memory_space<vmem>> -> memref<128x128xf32, #tpu.memory_space<vmem>>
    %dma_start3A_301 = arith.constant 128 : i32
    %dma_start3A_302 = tpu.memref_slice %arg9[%dma_start3A_301] : memref<10240xi32, #tpu.memory_space<vmem>> -> memref<128xi32, #tpu.memory_space<vmem>>
    %dma_start3A_303 = arith.constant 0 : i32
    %dma_start3A_304 = arith.constant 0 : i32
    %dma_start3A_305 = tpu.memref_slice %arg11[%dma_start3A_303, %dma_start3A_304] : memref<64x128xf32, #tpu.memory_space<vmem_shared>> -> memref<64x128xf32, #tpu.memory_space<vmem_shared>>
    tpu.enqueue_indirect_dma source(%dma_start3A_305 : memref<64x128xf32, #tpu.memory_space<vmem_shared>>) target(%dma_start3A_300 : memref<128x128xf32, #tpu.memory_space<vmem>>) offsets(%dma_start3A_302 : memref<128xi32, #tpu.memory_space<vmem>>) semaphore(%arg13 : memref<!tpu.dma_semaphore, #tpu.memory_space<semaphore_mem>>)
    %dma_start3A_306 = arith.constant 2 : i32
    %dma_start3A_307 = arith.constant 0 : i32
    %dma_start3A_308 = arith.constant 0 : i32
    %dma_start3A_309 = tpu.memref_slice %arg10[%dma_start3A_306, %dma_start3A_307, %dma_start3A_308] : memref<5x128x128xf32, #tpu.memory_space<vmem>> -> memref<1x128x128xf32, #tpu.memory_space<vmem>>
    %dma_start3A_310 = tpu.memref_squeeze %dma_start3A_309 : memref<1x128x128xf32, #tpu.memory_space<vmem>> -> memref<128x128xf32, #tpu.memory_space<vmem>>
    %dma_start3A_311 = arith.constant 256 : i32
    %dma_start3A_312 = tpu.memref_slice %arg9[%dma_start3A_311] : memref<10240xi32, #tpu.memory_space<vmem>> -> memref<128xi32, #tpu.memory_space<vmem>>
    %dma_start3A_313 = arith.constant 0 : i32
    %dma_start3A_314 = arith.constant 0 : i32
    %dma_start3A_315 = tpu.memref_slice %arg11[%dma_start3A_313, %dma_start3A_314] : memref<64x128xf32, #tpu.memory_space<vmem_shared>> -> memref<64x128xf32, #tpu.memory_space<vmem_shared>>
    tpu.enqueue_indirect_dma source(%dma_start3A_315 : memref<64x128xf32, #tpu.memory_space<vmem_shared>>) target(%dma_start3A_310 : memref<128x128xf32, #tpu.memory_space<vmem>>) offsets(%dma_start3A_312 : memref<128xi32, #tpu.memory_space<vmem>>) semaphore(%arg14 : memref<!tpu.dma_semaphore, #tpu.memory_space<semaphore_mem>>)
    %dma_start3A_316 = arith.constant 3 : i32
    %dma_start3A_317 = arith.constant 0 : i32
    %dma_start3A_318 = arith.constant 0 : i32
    %dma_start3A_319 = tpu.memref_slice %arg10[%dma_start3A_316, %dma_start3A_317, %dma_start3A_318] : memref<5x128x128xf32, #tpu.memory_space<vmem>> -> memref<1x128x128xf32, #tpu.memory_space<vmem>>
    %dma_start3A_320 = tpu.memref_squeeze %dma_start3A_319 : memref<1x128x128xf32, #tpu.memory_space<vmem>> -> memref<128x128xf32, #tpu.memory_space<vmem>>
    %dma_start3A_321 = arith.constant 384 : i32
    %dma_start3A_322 = tpu.memref_slice %arg9[%dma_start3A_321] : memref<10240xi32, #tpu.memory_space<vmem>> -> memref<128xi32, #tpu.memory_space<vmem>>
    %dma_start3A_323 = arith.constant 0 : i32
    %dma_start3A_324 = arith.constant 0 : i32
    %dma_start3A_325 = tpu.memref_slice %arg11[%dma_start3A_323, %dma_start3A_324] : memref<64x128xf32, #tpu.memory_space<vmem_shared>> -> memref<64x128xf32, #tpu.memory_space<vmem_shared>>
    tpu.enqueue_indirect_dma source(%dma_start3A_325 : memref<64x128xf32, #tpu.memory_space<vmem_shared>>) target(%dma_start3A_320 : memref<128x128xf32, #tpu.memory_space<vmem>>) offsets(%dma_start3A_322 : memref<128xi32, #tpu.memory_space<vmem>>) semaphore(%arg15 : memref<!tpu.dma_semaphore, #tpu.memory_space<semaphore_mem>>)
    %dma_start3A_326 = arith.constant 4 : i32
    %dma_start3A_327 = arith.constant 0 : i32
    %dma_start3A_328 = arith.constant 0 : i32
    %dma_start3A_329 = tpu.memref_slice %arg10[%dma_start3A_326, %dma_start3A_327, %dma_start3A_328] : memref<5x128x128xf32, #tpu.memory_space<vmem>> -> memref<1x128x128xf32, #tpu.memory_space<vmem>>
    %dma_start3A_330 = tpu.memref_squeeze %dma_start3A_329 : memref<1x128x128xf32, #tpu.memory_space<vmem>> -> memref<128x128xf32, #tpu.memory_space<vmem>>
    %dma_start3A_331 = arith.constant 512 : i32
    %dma_start3A_332 = tpu.memref_slice %arg9[%dma_start3A_331] : memref<10240xi32, #tpu.memory_space<vmem>> -> memref<128xi32, #tpu.memory_space<vmem>>
    %dma_start3A_333 = arith.constant 0 : i32
    %dma_start3A_334 = arith.constant 0 : i32
    %dma_start3A_335 = tpu.memref_slice %arg11[%dma_start3A_333, %dma_start3A_334] : memref<64x128xf32, #tpu.memory_space<vmem_shared>> -> memref<64x128xf32, #tpu.memory_space<vmem_shared>>
    tpu.enqueue_indirect_dma source(%dma_start3A_335 : memref<64x128xf32, #tpu.memory_space<vmem_shared>>) target(%dma_start3A_330 : memref<128x128xf32, #tpu.memory_space<vmem>>) offsets(%dma_start3A_332 : memref<128xi32, #tpu.memory_space<vmem>>) semaphore(%arg16 : memref<!tpu.dma_semaphore, #tpu.memory_space<semaphore_mem>>)
    %dma_wait3A_336 = arith.constant 0 : i32
    %dma_wait3A_337 = arith.constant 0 : i32
    %dma_wait3A_338 = arith.constant 0 : i32
    %dma_wait3A_339 = tpu.memref_slice %arg10[%dma_wait3A_336, %dma_wait3A_337, %dma_wait3A_338] : memref<5x128x128xf32, #tpu.memory_space<vmem>> -> memref<1x128x128xf32, #tpu.memory_space<vmem>>
    %dma_wait3A_340 = tpu.memref_squeeze %dma_wait3A_339 : memref<1x128x128xf32, #tpu.memory_space<vmem>> -> memref<128x128xf32, #tpu.memory_space<vmem>>
    %dma_wait3A_341 = arith.constant 0 : i32
    %dma_wait3A_342 = tpu.memref_slice %arg9[%dma_wait3A_341] : memref<10240xi32, #tpu.memory_space<vmem>> -> memref<128xi32, #tpu.memory_space<vmem>>
    %dma_wait3A_343 = arith.constant 0 : i32
    %dma_wait3A_344 = arith.constant 0 : i32
    %dma_wait3A_345 = tpu.memref_slice %arg11[%dma_wait3A_343, %dma_wait3A_344] : memref<64x128xf32, #tpu.memory_space<vmem_shared>> -> memref<64x128xf32, #tpu.memory_space<vmem_shared>>
    tpu.wait_indirect_dma semaphore(%arg12 : memref<!tpu.dma_semaphore, #tpu.memory_space<semaphore_mem>>) src(%dma_wait3A_345 : memref<64x128xf32, #tpu.memory_space<vmem_shared>>) dst(%dma_wait3A_340 : memref<128x128xf32, #tpu.memory_space<vmem>>)
    %add3A_346 = arith.constant 0 : i32
    %add3A_347 = arith.addi %mul3A_285, %add3A_346 : i32
    %min3A_348 = arith.constant 319872 : i32
    %min3A_349 = arith.minsi %add3A_347, %min3A_348 : i32
    %dma_start3A_350 = arith.constant 0 : i32
    %dma_start3A_351 = arith.constant 0 : i32
    %dma_start3A_352 = arith.constant 0 : i32
    %dma_start3A_353 = tpu.memref_slice %arg10[%dma_start3A_350, %dma_start3A_351, %dma_start3A_352] : memref<5x128x128xf32, #tpu.memory_space<vmem>> -> memref<1x128x128xf32, #tpu.memory_space<vmem>>
    %dma_start3A_354 = tpu.memref_squeeze %dma_start3A_353 : memref<1x128x128xf32, #tpu.memory_space<vmem>> -> memref<128x128xf32, #tpu.memory_space<vmem>>
    %dma_start3A_355 = arith.constant 0 : i32
    %dma_start3A_356 = tpu.memref_slice %arg7[%min3A_349, %dma_start3A_355] : memref<320000x128xf32, #tpu.memory_space<hbm>> -> memref<128x128xf32, #tpu.memory_space<hbm>>
    %dma_start3A_357 = arith.constant 0 : i32
    %dma_start3A_358 = tpu.memref_slice %arg7[%min3A_349, %dma_start3A_357] : memref<320000x128xf32, #tpu.memory_space<hbm>> -> memref<128x128xf32, #tpu.memory_space<hbm>>
    %dma_start3A_359 = arith.constant 0 : i32
    %dma_start3A_360 = arith.constant 0 : i32
    %dma_start3A_361 = tpu.memref_slice %arg10[%dma_start3A_350, %dma_start3A_359, %dma_start3A_360] : memref<5x128x128xf32, #tpu.memory_space<vmem>> -> memref<1x128x128xf32, #tpu.memory_space<vmem>>
    %dma_start3A_362 = tpu.memref_squeeze %dma_start3A_361 : memref<1x128x128xf32, #tpu.memory_space<vmem>> -> memref<128x128xf32, #tpu.memory_space<vmem>>
    tpu.enqueue_dma source(%dma_start3A_362 : memref<128x128xf32, #tpu.memory_space<vmem>>) target(%dma_start3A_358 : memref<128x128xf32, #tpu.memory_space<hbm>>) target_semaphore(%arg17 : memref<!tpu.dma_semaphore, #tpu.memory_space<semaphore_mem>>)
    %scan3A_363 = arith.constant 0 : i32
    %scan3A_364 = arith.constant 0 : i32
    %scan3A_365 = arith.constant 15 : i32
    %scan3A_366 = arith.addi %scan3A_364, %scan3A_365 : i32
    %scan3A_367 = arith.constant 1 : i32
    %scan3A_368 = scf.for %scan3A_553 = %scan3A_364 to %scan3A_366 step %scan3A_367 iter_args(%scan3A_554 = %scan3A_363) -> (i32)  : i32 {
      %mul3A_555 = arith.constant 5 : i32
      %mul3A_556 = arith.muli %scan3A_553, %mul3A_555 : i32
      %add3A_557 = arith.constant 0 : i32
      %add3A_558 = arith.addi %mul3A_556, %add3A_557 : i32
      %add3A_559 = arith.constant 1 : i32
      %add3A_560 = arith.addi %add3A_558, %add3A_559 : i32
      %dma_wait3A_561 = arith.constant 0 : i32
      %dma_wait3A_562 = arith.constant 0 : i32
      %dma_wait3A_563 = arith.constant 0 : i32
      %dma_wait3A_564 = tpu.memref_slice %arg10[%dma_wait3A_561, %dma_wait3A_562, %dma_wait3A_563] : memref<5x128x128xf32, #tpu.memory_space<vmem>> -> memref<1x128x128xf32, #tpu.memory_space<vmem>>
      %dma_wait3A_565 = tpu.memref_squeeze %dma_wait3A_564 : memref<1x128x128xf32, #tpu.memory_space<vmem>> -> memref<128x128xf32, #tpu.memory_space<vmem>>
      %dma_wait3A_566 = arith.constant 0 : i32
      %dma_wait3A_567 = arith.constant 0 : i32
      %dma_wait3A_568 = tpu.memref_slice %arg7[%dma_wait3A_566, %dma_wait3A_567] : memref<320000x128xf32, #tpu.memory_space<hbm>> -> memref<128x128xf32, #tpu.memory_space<hbm>>
      %dma_wait3A_569 = arith.constant 0 : i32
      %dma_wait3A_570 = arith.constant 0 : i32
      %dma_wait3A_571 = tpu.memref_slice %arg7[%dma_wait3A_569, %dma_wait3A_570] : memref<320000x128xf32, #tpu.memory_space<hbm>> -> memref<128x128xf32, #tpu.memory_space<hbm>>
      %dma_wait3A_572 = arith.constant 0 : i32
      %dma_wait3A_573 = arith.constant 0 : i32
      %dma_wait3A_574 = tpu.memref_slice %arg10[%dma_wait3A_561, %dma_wait3A_572, %dma_wait3A_573] : memref<5x128x128xf32, #tpu.memory_space<vmem>> -> memref<1x128x128xf32, #tpu.memory_space<vmem>>
      %dma_wait3A_575 = tpu.memref_squeeze %dma_wait3A_574 : memref<1x128x128xf32, #tpu.memory_space<vmem>> -> memref<128x128xf32, #tpu.memory_space<vmem>>
      tpu.wait_dma2 semaphore(%arg17 : memref<!tpu.dma_semaphore, #tpu.memory_space<semaphore_mem>>) src(%dma_wait3A_575 : memref<128x128xf32, #tpu.memory_space<vmem>>) dst(%dma_wait3A_571 : memref<128x128xf32, #tpu.memory_space<hbm>>)
      %sub3A = arith.constant 1 : i32
      %sub3A_576 = arith.subi %add3A_560, %sub3A : i32
      %add3A_577 = arith.constant 5 : i32
      %add3A_578 = arith.addi %sub3A_576, %add3A_577 : i32
      %mul3A_579 = arith.constant 128 : i32
      %mul3A_580 = arith.muli %add3A_578, %mul3A_579 : i32
      %dma_start3A_581 = arith.constant 0 : i32
      %dma_start3A_582 = arith.constant 0 : i32
      %dma_start3A_583 = arith.constant 0 : i32
      %dma_start3A_584 = tpu.memref_slice %arg10[%dma_start3A_581, %dma_start3A_582, %dma_start3A_583] : memref<5x128x128xf32, #tpu.memory_space<vmem>> -> memref<1x128x128xf32, #tpu.memory_space<vmem>>
      %dma_start3A_585 = tpu.memref_squeeze %dma_start3A_584 : memref<1x128x128xf32, #tpu.memory_space<vmem>> -> memref<128x128xf32, #tpu.memory_space<vmem>>
      %dma_start3A_586 = tpu.memref_slice %arg9[%mul3A_580] : memref<10240xi32, #tpu.memory_space<vmem>> -> memref<128xi32, #tpu.memory_space<vmem>>
      %dma_start3A_587 = arith.constant 0 : i32
      %dma_start3A_588 = arith.constant 0 : i32
      %dma_start3A_589 = tpu.memref_slice %arg11[%dma_start3A_587, %dma_start3A_588] : memref<64x128xf32, #tpu.memory_space<vmem_shared>> -> memref<64x128xf32, #tpu.memory_space<vmem_shared>>
      tpu.enqueue_indirect_dma source(%dma_start3A_589 : memref<64x128xf32, #tpu.memory_space<vmem_shared>>) target(%dma_start3A_585 : memref<128x128xf32, #tpu.memory_space<vmem>>) offsets(%dma_start3A_586 : memref<128xi32, #tpu.memory_space<vmem>>) semaphore(%arg12 : memref<!tpu.dma_semaphore, #tpu.memory_space<semaphore_mem>>)
      %dma_wait3A_590 = arith.constant 1 : i32
      %dma_wait3A_591 = arith.constant 0 : i32
      %dma_wait3A_592 = arith.constant 0 : i32
      %dma_wait3A_593 = tpu.memref_slice %arg10[%dma_wait3A_590, %dma_wait3A_591, %dma_wait3A_592] : memref<5x128x128xf32, #tpu.memory_space<vmem>> -> memref<1x128x128xf32, #tpu.memory_space<vmem>>
      %dma_wait3A_594 = tpu.memref_squeeze %dma_wait3A_593 : memref<1x128x128xf32, #tpu.memory_space<vmem>> -> memref<128x128xf32, #tpu.memory_space<vmem>>
      %dma_wait3A_595 = arith.constant 0 : i32
      %dma_wait3A_596 = tpu.memref_slice %arg9[%dma_wait3A_595] : memref<10240xi32, #tpu.memory_space<vmem>> -> memref<128xi32, #tpu.memory_space<vmem>>
      %dma_wait3A_597 = arith.constant 0 : i32
      %dma_wait3A_598 = arith.constant 0 : i32
      %dma_wait3A_599 = tpu.memref_slice %arg11[%dma_wait3A_597, %dma_wait3A_598] : memref<64x128xf32, #tpu.memory_space<vmem_shared>> -> memref<64x128xf32, #tpu.memory_space<vmem_shared>>
      tpu.wait_indirect_dma semaphore(%arg13 : memref<!tpu.dma_semaphore, #tpu.memory_space<semaphore_mem>>) src(%dma_wait3A_599 : memref<64x128xf32, #tpu.memory_space<vmem_shared>>) dst(%dma_wait3A_594 : memref<128x128xf32, #tpu.memory_space<vmem>>)
      %mul3A_600 = arith.constant 128 : i32
      %mul3A_601 = arith.muli %add3A_560, %mul3A_600 : i32
      %add3A_602 = arith.addi %mul3A_285, %mul3A_601 : i32
      %min3A_603 = arith.constant 319872 : i32
      %min3A_604 = arith.minsi %add3A_602, %min3A_603 : i32
      %dma_start3A_605 = arith.constant 1 : i32
      %dma_start3A_606 = arith.constant 0 : i32
      %dma_start3A_607 = arith.constant 0 : i32
      %dma_start3A_608 = tpu.memref_slice %arg10[%dma_start3A_605, %dma_start3A_606, %dma_start3A_607] : memref<5x128x128xf32, #tpu.memory_space<vmem>> -> memref<1x128x128xf32, #tpu.memory_space<vmem>>
      %dma_start3A_609 = tpu.memref_squeeze %dma_start3A_608 : memref<1x128x128xf32, #tpu.memory_space<vmem>> -> memref<128x128xf32, #tpu.memory_space<vmem>>
      %dma_start3A_610 = arith.constant 0 : i32
      %dma_start3A_611 = tpu.memref_slice %arg7[%min3A_604, %dma_start3A_610] : memref<320000x128xf32, #tpu.memory_space<hbm>> -> memref<128x128xf32, #tpu.memory_space<hbm>>
      %dma_start3A_612 = arith.constant 0 : i32
      %dma_start3A_613 = tpu.memref_slice %arg7[%min3A_604, %dma_start3A_612] : memref<320000x128xf32, #tpu.memory_space<hbm>> -> memref<128x128xf32, #tpu.memory_space<hbm>>
      %dma_start3A_614 = arith.constant 0 : i32
      %dma_start3A_615 = arith.constant 0 : i32
      %dma_start3A_616 = tpu.memref_slice %arg10[%dma_start3A_605, %dma_start3A_614, %dma_start3A_615] : memref<5x128x128xf32, #tpu.memory_space<vmem>> -> memref<1x128x128xf32, #tpu.memory_space<vmem>>
      %dma_start3A_617 = tpu.memref_squeeze %dma_start3A_616 : memref<1x128x128xf32, #tpu.memory_space<vmem>> -> memref<128x128xf32, #tpu.memory_space<vmem>>
      tpu.enqueue_dma source(%dma_start3A_617 : memref<128x128xf32, #tpu.memory_space<vmem>>) target(%dma_start3A_613 : memref<128x128xf32, #tpu.memory_space<hbm>>) target_semaphore(%arg18 : memref<!tpu.dma_semaphore, #tpu.memory_space<semaphore_mem>>)
      %add3A_618 = arith.constant 1 : i32
      %add3A_619 = arith.addi %mul3A_556, %add3A_618 : i32
      %add3A_620 = arith.constant 1 : i32
      %add3A_621 = arith.addi %add3A_619, %add3A_620 : i32
      %dma_wait3A_622 = arith.constant 1 : i32
      %dma_wait3A_623 = arith.constant 0 : i32
      %dma_wait3A_624 = arith.constant 0 : i32
      %dma_wait3A_625 = tpu.memref_slice %arg10[%dma_wait3A_622, %dma_wait3A_623, %dma_wait3A_624] : memref<5x128x128xf32, #tpu.memory_space<vmem>> -> memref<1x128x128xf32, #tpu.memory_space<vmem>>
      %dma_wait3A_626 = tpu.memref_squeeze %dma_wait3A_625 : memref<1x128x128xf32, #tpu.memory_space<vmem>> -> memref<128x128xf32, #tpu.memory_space<vmem>>
      %dma_wait3A_627 = arith.constant 0 : i32
      %dma_wait3A_628 = arith.constant 0 : i32
      %dma_wait3A_629 = tpu.memref_slice %arg7[%dma_wait3A_627, %dma_wait3A_628] : memref<320000x128xf32, #tpu.memory_space<hbm>> -> memref<128x128xf32, #tpu.memory_space<hbm>>
      %dma_wait3A_630 = arith.constant 0 : i32
      %dma_wait3A_631 = arith.constant 0 : i32
      %dma_wait3A_632 = tpu.memref_slice %arg7[%dma_wait3A_630, %dma_wait3A_631] : memref<320000x128xf32, #tpu.memory_space<hbm>> -> memref<128x128xf32, #tpu.memory_space<hbm>>
      %dma_wait3A_633 = arith.constant 0 : i32
      %dma_wait3A_634 = arith.constant 0 : i32
      %dma_wait3A_635 = tpu.memref_slice %arg10[%dma_wait3A_622, %dma_wait3A_633, %dma_wait3A_634] : memref<5x128x128xf32, #tpu.memory_space<vmem>> -> memref<1x128x128xf32, #tpu.memory_space<vmem>>
      %dma_wait3A_636 = tpu.memref_squeeze %dma_wait3A_635 : memref<1x128x128xf32, #tpu.memory_space<vmem>> -> memref<128x128xf32, #tpu.memory_space<vmem>>
      tpu.wait_dma2 semaphore(%arg18 : memref<!tpu.dma_semaphore, #tpu.memory_space<semaphore_mem>>) src(%dma_wait3A_636 : memref<128x128xf32, #tpu.memory_space<vmem>>) dst(%dma_wait3A_632 : memref<128x128xf32, #tpu.memory_space<hbm>>)
      %sub3A_637 = arith.constant 1 : i32
      %sub3A_638 = arith.subi %add3A_621, %sub3A_637 : i32
      %add3A_639 = arith.constant 5 : i32
      %add3A_640 = arith.addi %sub3A_638, %add3A_639 : i32
      %mul3A_641 = arith.constant 128 : i32
      %mul3A_642 = arith.muli %add3A_640, %mul3A_641 : i32
      %dma_start3A_643 = arith.constant 1 : i32
      %dma_start3A_644 = arith.constant 0 : i32
      %dma_start3A_645 = arith.constant 0 : i32
      %dma_start3A_646 = tpu.memref_slice %arg10[%dma_start3A_643, %dma_start3A_644, %dma_start3A_645] : memref<5x128x128xf32, #tpu.memory_space<vmem>> -> memref<1x128x128xf32, #tpu.memory_space<vmem>>
      %dma_start3A_647 = tpu.memref_squeeze %dma_start3A_646 : memref<1x128x128xf32, #tpu.memory_space<vmem>> -> memref<128x128xf32, #tpu.memory_space<vmem>>
      %dma_start3A_648 = tpu.memref_slice %arg9[%mul3A_642] : memref<10240xi32, #tpu.memory_space<vmem>> -> memref<128xi32, #tpu.memory_space<vmem>>
      %dma_start3A_649 = arith.constant 0 : i32
      %dma_start3A_650 = arith.constant 0 : i32
      %dma_start3A_651 = tpu.memref_slice %arg11[%dma_start3A_649, %dma_start3A_650] : memref<64x128xf32, #tpu.memory_space<vmem_shared>> -> memref<64x128xf32, #tpu.memory_space<vmem_shared>>
      tpu.enqueue_indirect_dma source(%dma_start3A_651 : memref<64x128xf32, #tpu.memory_space<vmem_shared>>) target(%dma_start3A_647 : memref<128x128xf32, #tpu.memory_space<vmem>>) offsets(%dma_start3A_648 : memref<128xi32, #tpu.memory_space<vmem>>) semaphore(%arg13 : memref<!tpu.dma_semaphore, #tpu.memory_space<semaphore_mem>>)
      %dma_wait3A_652 = arith.constant 2 : i32
      %dma_wait3A_653 = arith.constant 0 : i32
      %dma_wait3A_654 = arith.constant 0 : i32
      %dma_wait3A_655 = tpu.memref_slice %arg10[%dma_wait3A_652, %dma_wait3A_653, %dma_wait3A_654] : memref<5x128x128xf32, #tpu.memory_space<vmem>> -> memref<1x128x128xf32, #tpu.memory_space<vmem>>
      %dma_wait3A_656 = tpu.memref_squeeze %dma_wait3A_655 : memref<1x128x128xf32, #tpu.memory_space<vmem>> -> memref<128x128xf32, #tpu.memory_space<vmem>>
      %dma_wait3A_657 = arith.constant 0 : i32
      %dma_wait3A_658 = tpu.memref_slice %arg9[%dma_wait3A_657] : memref<10240xi32, #tpu.memory_space<vmem>> -> memref<128xi32, #tpu.memory_space<vmem>>
      %dma_wait3A_659 = arith.constant 0 : i32
      %dma_wait3A_660 = arith.constant 0 : i32
      %dma_wait3A_661 = tpu.memref_slice %arg11[%dma_wait3A_659, %dma_wait3A_660] : memref<64x128xf32, #tpu.memory_space<vmem_shared>> -> memref<64x128xf32, #tpu.memory_space<vmem_shared>>
      tpu.wait_indirect_dma semaphore(%arg14 : memref<!tpu.dma_semaphore, #tpu.memory_space<semaphore_mem>>) src(%dma_wait3A_661 : memref<64x128xf32, #tpu.memory_space<vmem_shared>>) dst(%dma_wait3A_656 : memref<128x128xf32, #tpu.memory_space<vmem>>)
      %mul3A_662 = arith.constant 128 : i32
      %mul3A_663 = arith.muli %add3A_621, %mul3A_662 : i32
      %add3A_664 = arith.addi %mul3A_285, %mul3A_663 : i32
      %min3A_665 = arith.constant 319872 : i32
      %min3A_666 = arith.minsi %add3A_664, %min3A_665 : i32
      %dma_start3A_667 = arith.constant 2 : i32
      %dma_start3A_668 = arith.constant 0 : i32
      %dma_start3A_669 = arith.constant 0 : i32
      %dma_start3A_670 = tpu.memref_slice %arg10[%dma_start3A_667, %dma_start3A_668, %dma_start3A_669] : memref<5x128x128xf32, #tpu.memory_space<vmem>> -> memref<1x128x128xf32, #tpu.memory_space<vmem>>
      %dma_start3A_671 = tpu.memref_squeeze %dma_start3A_670 : memref<1x128x128xf32, #tpu.memory_space<vmem>> -> memref<128x128xf32, #tpu.memory_space<vmem>>
      %dma_start3A_672 = arith.constant 0 : i32
      %dma_start3A_673 = tpu.memref_slice %arg7[%min3A_666, %dma_start3A_672] : memref<320000x128xf32, #tpu.memory_space<hbm>> -> memref<128x128xf32, #tpu.memory_space<hbm>>
      %dma_start3A_674 = arith.constant 0 : i32
      %dma_start3A_675 = tpu.memref_slice %arg7[%min3A_666, %dma_start3A_674] : memref<320000x128xf32, #tpu.memory_space<hbm>> -> memref<128x128xf32, #tpu.memory_space<hbm>>
      %dma_start3A_676 = arith.constant 0 : i32
      %dma_start3A_677 = arith.constant 0 : i32
      %dma_start3A_678 = tpu.memref_slice %arg10[%dma_start3A_667, %dma_start3A_676, %dma_start3A_677] : memref<5x128x128xf32, #tpu.memory_space<vmem>> -> memref<1x128x128xf32, #tpu.memory_space<vmem>>
      %dma_start3A_679 = tpu.memref_squeeze %dma_start3A_678 : memref<1x128x128xf32, #tpu.memory_space<vmem>> -> memref<128x128xf32, #tpu.memory_space<vmem>>
      tpu.enqueue_dma source(%dma_start3A_679 : memref<128x128xf32, #tpu.memory_space<vmem>>) target(%dma_start3A_675 : memref<128x128xf32, #tpu.memory_space<hbm>>) target_semaphore(%arg19 : memref<!tpu.dma_semaphore, #tpu.memory_space<semaphore_mem>>)
      %add3A_680 = arith.constant 2 : i32
      %add3A_681 = arith.addi %mul3A_556, %add3A_680 : i32
      %add3A_682 = arith.constant 1 : i32
      %add3A_683 = arith.addi %add3A_681, %add3A_682 : i32
      %dma_wait3A_684 = arith.constant 2 : i32
      %dma_wait3A_685 = arith.constant 0 : i32
      %dma_wait3A_686 = arith.constant 0 : i32
      %dma_wait3A_687 = tpu.memref_slice %arg10[%dma_wait3A_684, %dma_wait3A_685, %dma_wait3A_686] : memref<5x128x128xf32, #tpu.memory_space<vmem>> -> memref<1x128x128xf32, #tpu.memory_space<vmem>>
      %dma_wait3A_688 = tpu.memref_squeeze %dma_wait3A_687 : memref<1x128x128xf32, #tpu.memory_space<vmem>> -> memref<128x128xf32, #tpu.memory_space<vmem>>
      %dma_wait3A_689 = arith.constant 0 : i32
      %dma_wait3A_690 = arith.constant 0 : i32
      %dma_wait3A_691 = tpu.memref_slice %arg7[%dma_wait3A_689, %dma_wait3A_690] : memref<320000x128xf32, #tpu.memory_space<hbm>> -> memref<128x128xf32, #tpu.memory_space<hbm>>
      %dma_wait3A_692 = arith.constant 0 : i32
      %dma_wait3A_693 = arith.constant 0 : i32
      %dma_wait3A_694 = tpu.memref_slice %arg7[%dma_wait3A_692, %dma_wait3A_693] : memref<320000x128xf32, #tpu.memory_space<hbm>> -> memref<128x128xf32, #tpu.memory_space<hbm>>
      %dma_wait3A_695 = arith.constant 0 : i32
      %dma_wait3A_696 = arith.constant 0 : i32
      %dma_wait3A_697 = tpu.memref_slice %arg10[%dma_wait3A_684, %dma_wait3A_695, %dma_wait3A_696] : memref<5x128x128xf32, #tpu.memory_space<vmem>> -> memref<1x128x128xf32, #tpu.memory_space<vmem>>
      %dma_wait3A_698 = tpu.memref_squeeze %dma_wait3A_697 : memref<1x128x128xf32, #tpu.memory_space<vmem>> -> memref<128x128xf32, #tpu.memory_space<vmem>>
      tpu.wait_dma2 semaphore(%arg19 : memref<!tpu.dma_semaphore, #tpu.memory_space<semaphore_mem>>) src(%dma_wait3A_698 : memref<128x128xf32, #tpu.memory_space<vmem>>) dst(%dma_wait3A_694 : memref<128x128xf32, #tpu.memory_space<hbm>>)
      %sub3A_699 = arith.constant 1 : i32
      %sub3A_700 = arith.subi %add3A_683, %sub3A_699 : i32
      %add3A_701 = arith.constant 5 : i32
      %add3A_702 = arith.addi %sub3A_700, %add3A_701 : i32
      %mul3A_703 = arith.constant 128 : i32
      %mul3A_704 = arith.muli %add3A_702, %mul3A_703 : i32
      %dma_start3A_705 = arith.constant 2 : i32
      %dma_start3A_706 = arith.constant 0 : i32
      %dma_start3A_707 = arith.constant 0 : i32
      %dma_start3A_708 = tpu.memref_slice %arg10[%dma_start3A_705, %dma_start3A_706, %dma_start3A_707] : memref<5x128x128xf32, #tpu.memory_space<vmem>> -> memref<1x128x128xf32, #tpu.memory_space<vmem>>
      %dma_start3A_709 = tpu.memref_squeeze %dma_start3A_708 : memref<1x128x128xf32, #tpu.memory_space<vmem>> -> memref<128x128xf32, #tpu.memory_space<vmem>>
      %dma_start3A_710 = tpu.memref_slice %arg9[%mul3A_704] : memref<10240xi32, #tpu.memory_space<vmem>> -> memref<128xi32, #tpu.memory_space<vmem>>
      %dma_start3A_711 = arith.constant 0 : i32
      %dma_start3A_712 = arith.constant 0 : i32
      %dma_start3A_713 = tpu.memref_slice %arg11[%dma_start3A_711, %dma_start3A_712] : memref<64x128xf32, #tpu.memory_space<vmem_shared>> -> memref<64x128xf32, #tpu.memory_space<vmem_shared>>
      tpu.enqueue_indirect_dma source(%dma_start3A_713 : memref<64x128xf32, #tpu.memory_space<vmem_shared>>) target(%dma_start3A_709 : memref<128x128xf32, #tpu.memory_space<vmem>>) offsets(%dma_start3A_710 : memref<128xi32, #tpu.memory_space<vmem>>) semaphore(%arg14 : memref<!tpu.dma_semaphore, #tpu.memory_space<semaphore_mem>>)
      %dma_wait3A_714 = arith.constant 3 : i32
      %dma_wait3A_715 = arith.constant 0 : i32
      %dma_wait3A_716 = arith.constant 0 : i32
      %dma_wait3A_717 = tpu.memref_slice %arg10[%dma_wait3A_714, %dma_wait3A_715, %dma_wait3A_716] : memref<5x128x128xf32, #tpu.memory_space<vmem>> -> memref<1x128x128xf32, #tpu.memory_space<vmem>>
      %dma_wait3A_718 = tpu.memref_squeeze %dma_wait3A_717 : memref<1x128x128xf32, #tpu.memory_space<vmem>> -> memref<128x128xf32, #tpu.memory_space<vmem>>
      %dma_wait3A_719 = arith.constant 0 : i32
      %dma_wait3A_720 = tpu.memref_slice %arg9[%dma_wait3A_719] : memref<10240xi32, #tpu.memory_space<vmem>> -> memref<128xi32, #tpu.memory_space<vmem>>
      %dma_wait3A_721 = arith.constant 0 : i32
      %dma_wait3A_722 = arith.constant 0 : i32
      %dma_wait3A_723 = tpu.memref_slice %arg11[%dma_wait3A_721, %dma_wait3A_722] : memref<64x128xf32, #tpu.memory_space<vmem_shared>> -> memref<64x128xf32, #tpu.memory_space<vmem_shared>>
      tpu.wait_indirect_dma semaphore(%arg15 : memref<!tpu.dma_semaphore, #tpu.memory_space<semaphore_mem>>) src(%dma_wait3A_723 : memref<64x128xf32, #tpu.memory_space<vmem_shared>>) dst(%dma_wait3A_718 : memref<128x128xf32, #tpu.memory_space<vmem>>)
      %mul3A_724 = arith.constant 128 : i32
      %mul3A_725 = arith.muli %add3A_683, %mul3A_724 : i32
      %add3A_726 = arith.addi %mul3A_285, %mul3A_725 : i32
      %min3A_727 = arith.constant 319872 : i32
      %min3A_728 = arith.minsi %add3A_726, %min3A_727 : i32
      %dma_start3A_729 = arith.constant 3 : i32
      %dma_start3A_730 = arith.constant 0 : i32
      %dma_start3A_731 = arith.constant 0 : i32
      %dma_start3A_732 = tpu.memref_slice %arg10[%dma_start3A_729, %dma_start3A_730, %dma_start3A_731] : memref<5x128x128xf32, #tpu.memory_space<vmem>> -> memref<1x128x128xf32, #tpu.memory_space<vmem>>
      %dma_start3A_733 = tpu.memref_squeeze %dma_start3A_732 : memref<1x128x128xf32, #tpu.memory_space<vmem>> -> memref<128x128xf32, #tpu.memory_space<vmem>>
      %dma_start3A_734 = arith.constant 0 : i32
      %dma_start3A_735 = tpu.memref_slice %arg7[%min3A_728, %dma_start3A_734] : memref<320000x128xf32, #tpu.memory_space<hbm>> -> memref<128x128xf32, #tpu.memory_space<hbm>>
      %dma_start3A_736 = arith.constant 0 : i32
      %dma_start3A_737 = tpu.memref_slice %arg7[%min3A_728, %dma_start3A_736] : memref<320000x128xf32, #tpu.memory_space<hbm>> -> memref<128x128xf32, #tpu.memory_space<hbm>>
      %dma_start3A_738 = arith.constant 0 : i32
      %dma_start3A_739 = arith.constant 0 : i32
      %dma_start3A_740 = tpu.memref_slice %arg10[%dma_start3A_729, %dma_start3A_738, %dma_start3A_739] : memref<5x128x128xf32, #tpu.memory_space<vmem>> -> memref<1x128x128xf32, #tpu.memory_space<vmem>>
      %dma_start3A_741 = tpu.memref_squeeze %dma_start3A_740 : memref<1x128x128xf32, #tpu.memory_space<vmem>> -> memref<128x128xf32, #tpu.memory_space<vmem>>
      tpu.enqueue_dma source(%dma_start3A_741 : memref<128x128xf32, #tpu.memory_space<vmem>>) target(%dma_start3A_737 : memref<128x128xf32, #tpu.memory_space<hbm>>) target_semaphore(%arg20 : memref<!tpu.dma_semaphore, #tpu.memory_space<semaphore_mem>>)
      %add3A_742 = arith.constant 3 : i32
      %add3A_743 = arith.addi %mul3A_556, %add3A_742 : i32
      %add3A_744 = arith.constant 1 : i32
      %add3A_745 = arith.addi %add3A_743, %add3A_744 : i32
      %dma_wait3A_746 = arith.constant 3 : i32
      %dma_wait3A_747 = arith.constant 0 : i32
      %dma_wait3A_748 = arith.constant 0 : i32
      %dma_wait3A_749 = tpu.memref_slice %arg10[%dma_wait3A_746, %dma_wait3A_747, %dma_wait3A_748] : memref<5x128x128xf32, #tpu.memory_space<vmem>> -> memref<1x128x128xf32, #tpu.memory_space<vmem>>
      %dma_wait3A_750 = tpu.memref_squeeze %dma_wait3A_749 : memref<1x128x128xf32, #tpu.memory_space<vmem>> -> memref<128x128xf32, #tpu.memory_space<vmem>>
      %dma_wait3A_751 = arith.constant 0 : i32
      %dma_wait3A_752 = arith.constant 0 : i32
      %dma_wait3A_753 = tpu.memref_slice %arg7[%dma_wait3A_751, %dma_wait3A_752] : memref<320000x128xf32, #tpu.memory_space<hbm>> -> memref<128x128xf32, #tpu.memory_space<hbm>>
      %dma_wait3A_754 = arith.constant 0 : i32
      %dma_wait3A_755 = arith.constant 0 : i32
      %dma_wait3A_756 = tpu.memref_slice %arg7[%dma_wait3A_754, %dma_wait3A_755] : memref<320000x128xf32, #tpu.memory_space<hbm>> -> memref<128x128xf32, #tpu.memory_space<hbm>>
      %dma_wait3A_757 = arith.constant 0 : i32
      %dma_wait3A_758 = arith.constant 0 : i32
      %dma_wait3A_759 = tpu.memref_slice %arg10[%dma_wait3A_746, %dma_wait3A_757, %dma_wait3A_758] : memref<5x128x128xf32, #tpu.memory_space<vmem>> -> memref<1x128x128xf32, #tpu.memory_space<vmem>>
      %dma_wait3A_760 = tpu.memref_squeeze %dma_wait3A_759 : memref<1x128x128xf32, #tpu.memory_space<vmem>> -> memref<128x128xf32, #tpu.memory_space<vmem>>
      tpu.wait_dma2 semaphore(%arg20 : memref<!tpu.dma_semaphore, #tpu.memory_space<semaphore_mem>>) src(%dma_wait3A_760 : memref<128x128xf32, #tpu.memory_space<vmem>>) dst(%dma_wait3A_756 : memref<128x128xf32, #tpu.memory_space<hbm>>)
      %sub3A_761 = arith.constant 1 : i32
      %sub3A_762 = arith.subi %add3A_745, %sub3A_761 : i32
      %add3A_763 = arith.constant 5 : i32
      %add3A_764 = arith.addi %sub3A_762, %add3A_763 : i32
      %mul3A_765 = arith.constant 128 : i32
      %mul3A_766 = arith.muli %add3A_764, %mul3A_765 : i32
      %dma_start3A_767 = arith.constant 3 : i32
      %dma_start3A_768 = arith.constant 0 : i32
      %dma_start3A_769 = arith.constant 0 : i32
      %dma_start3A_770 = tpu.memref_slice %arg10[%dma_start3A_767, %dma_start3A_768, %dma_start3A_769] : memref<5x128x128xf32, #tpu.memory_space<vmem>> -> memref<1x128x128xf32, #tpu.memory_space<vmem>>
      %dma_start3A_771 = tpu.memref_squeeze %dma_start3A_770 : memref<1x128x128xf32, #tpu.memory_space<vmem>> -> memref<128x128xf32, #tpu.memory_space<vmem>>
      %dma_start3A_772 = tpu.memref_slice %arg9[%mul3A_766] : memref<10240xi32, #tpu.memory_space<vmem>> -> memref<128xi32, #tpu.memory_space<vmem>>
      %dma_start3A_773 = arith.constant 0 : i32
      %dma_start3A_774 = arith.constant 0 : i32
      %dma_start3A_775 = tpu.memref_slice %arg11[%dma_start3A_773, %dma_start3A_774] : memref<64x128xf32, #tpu.memory_space<vmem_shared>> -> memref<64x128xf32, #tpu.memory_space<vmem_shared>>
      tpu.enqueue_indirect_dma source(%dma_start3A_775 : memref<64x128xf32, #tpu.memory_space<vmem_shared>>) target(%dma_start3A_771 : memref<128x128xf32, #tpu.memory_space<vmem>>) offsets(%dma_start3A_772 : memref<128xi32, #tpu.memory_space<vmem>>) semaphore(%arg15 : memref<!tpu.dma_semaphore, #tpu.memory_space<semaphore_mem>>)
      %dma_wait3A_776 = arith.constant 4 : i32
      %dma_wait3A_777 = arith.constant 0 : i32
      %dma_wait3A_778 = arith.constant 0 : i32
      %dma_wait3A_779 = tpu.memref_slice %arg10[%dma_wait3A_776, %dma_wait3A_777, %dma_wait3A_778] : memref<5x128x128xf32, #tpu.memory_space<vmem>> -> memref<1x128x128xf32, #tpu.memory_space<vmem>>
      %dma_wait3A_780 = tpu.memref_squeeze %dma_wait3A_779 : memref<1x128x128xf32, #tpu.memory_space<vmem>> -> memref<128x128xf32, #tpu.memory_space<vmem>>
      %dma_wait3A_781 = arith.constant 0 : i32
      %dma_wait3A_782 = tpu.memref_slice %arg9[%dma_wait3A_781] : memref<10240xi32, #tpu.memory_space<vmem>> -> memref<128xi32, #tpu.memory_space<vmem>>
      %dma_wait3A_783 = arith.constant 0 : i32
      %dma_wait3A_784 = arith.constant 0 : i32
      %dma_wait3A_785 = tpu.memref_slice %arg11[%dma_wait3A_783, %dma_wait3A_784] : memref<64x128xf32, #tpu.memory_space<vmem_shared>> -> memref<64x128xf32, #tpu.memory_space<vmem_shared>>
      tpu.wait_indirect_dma semaphore(%arg16 : memref<!tpu.dma_semaphore, #tpu.memory_space<semaphore_mem>>) src(%dma_wait3A_785 : memref<64x128xf32, #tpu.memory_space<vmem_shared>>) dst(%dma_wait3A_780 : memref<128x128xf32, #tpu.memory_space<vmem>>)
      %mul3A_786 = arith.constant 128 : i32
      %mul3A_787 = arith.muli %add3A_745, %mul3A_786 : i32
      %add3A_788 = arith.addi %mul3A_285, %mul3A_787 : i32
      %min3A_789 = arith.constant 319872 : i32
      %min3A_790 = arith.minsi %add3A_788, %min3A_789 : i32
      %dma_start3A_791 = arith.constant 4 : i32
      %dma_start3A_792 = arith.constant 0 : i32
      %dma_start3A_793 = arith.constant 0 : i32
      %dma_start3A_794 = tpu.memref_slice %arg10[%dma_start3A_791, %dma_start3A_792, %dma_start3A_793] : memref<5x128x128xf32, #tpu.memory_space<vmem>> -> memref<1x128x128xf32, #tpu.memory_space<vmem>>
      %dma_start3A_795 = tpu.memref_squeeze %dma_start3A_794 : memref<1x128x128xf32, #tpu.memory_space<vmem>> -> memref<128x128xf32, #tpu.memory_space<vmem>>
      %dma_start3A_796 = arith.constant 0 : i32
      %dma_start3A_797 = tpu.memref_slice %arg7[%min3A_790, %dma_start3A_796] : memref<320000x128xf32, #tpu.memory_space<hbm>> -> memref<128x128xf32, #tpu.memory_space<hbm>>
      %dma_start3A_798 = arith.constant 0 : i32
      %dma_start3A_799 = tpu.memref_slice %arg7[%min3A_790, %dma_start3A_798] : memref<320000x128xf32, #tpu.memory_space<hbm>> -> memref<128x128xf32, #tpu.memory_space<hbm>>
      %dma_start3A_800 = arith.constant 0 : i32
      %dma_start3A_801 = arith.constant 0 : i32
      %dma_start3A_802 = tpu.memref_slice %arg10[%dma_start3A_791, %dma_start3A_800, %dma_start3A_801] : memref<5x128x128xf32, #tpu.memory_space<vmem>> -> memref<1x128x128xf32, #tpu.memory_space<vmem>>
      %dma_start3A_803 = tpu.memref_squeeze %dma_start3A_802 : memref<1x128x128xf32, #tpu.memory_space<vmem>> -> memref<128x128xf32, #tpu.memory_space<vmem>>
      tpu.enqueue_dma source(%dma_start3A_803 : memref<128x128xf32, #tpu.memory_space<vmem>>) target(%dma_start3A_799 : memref<128x128xf32, #tpu.memory_space<hbm>>) target_semaphore(%arg21 : memref<!tpu.dma_semaphore, #tpu.memory_space<semaphore_mem>>)
      %add3A_804 = arith.constant 4 : i32
      %add3A_805 = arith.addi %mul3A_556, %add3A_804 : i32
      %add3A_806 = arith.constant 1 : i32
      %add3A_807 = arith.addi %add3A_805, %add3A_806 : i32
      %dma_wait3A_808 = arith.constant 4 : i32
      %dma_wait3A_809 = arith.constant 0 : i32
      %dma_wait3A_810 = arith.constant 0 : i32
      %dma_wait3A_811 = tpu.memref_slice %arg10[%dma_wait3A_808, %dma_wait3A_809, %dma_wait3A_810] : memref<5x128x128xf32, #tpu.memory_space<vmem>> -> memref<1x128x128xf32, #tpu.memory_space<vmem>>
      %dma_wait3A_812 = tpu.memref_squeeze %dma_wait3A_811 : memref<1x128x128xf32, #tpu.memory_space<vmem>> -> memref<128x128xf32, #tpu.memory_space<vmem>>
      %dma_wait3A_813 = arith.constant 0 : i32
      %dma_wait3A_814 = arith.constant 0 : i32
      %dma_wait3A_815 = tpu.memref_slice %arg7[%dma_wait3A_813, %dma_wait3A_814] : memref<320000x128xf32, #tpu.memory_space<hbm>> -> memref<128x128xf32, #tpu.memory_space<hbm>>
      %dma_wait3A_816 = arith.constant 0 : i32
      %dma_wait3A_817 = arith.constant 0 : i32
      %dma_wait3A_818 = tpu.memref_slice %arg7[%dma_wait3A_816, %dma_wait3A_817] : memref<320000x128xf32, #tpu.memory_space<hbm>> -> memref<128x128xf32, #tpu.memory_space<hbm>>
      %dma_wait3A_819 = arith.constant 0 : i32
      %dma_wait3A_820 = arith.constant 0 : i32
      %dma_wait3A_821 = tpu.memref_slice %arg10[%dma_wait3A_808, %dma_wait3A_819, %dma_wait3A_820] : memref<5x128x128xf32, #tpu.memory_space<vmem>> -> memref<1x128x128xf32, #tpu.memory_space<vmem>>
      %dma_wait3A_822 = tpu.memref_squeeze %dma_wait3A_821 : memref<1x128x128xf32, #tpu.memory_space<vmem>> -> memref<128x128xf32, #tpu.memory_space<vmem>>
      tpu.wait_dma2 semaphore(%arg21 : memref<!tpu.dma_semaphore, #tpu.memory_space<semaphore_mem>>) src(%dma_wait3A_822 : memref<128x128xf32, #tpu.memory_space<vmem>>) dst(%dma_wait3A_818 : memref<128x128xf32, #tpu.memory_space<hbm>>)
      %sub3A_823 = arith.constant 1 : i32
      %sub3A_824 = arith.subi %add3A_807, %sub3A_823 : i32
      %add3A_825 = arith.constant 5 : i32
      %add3A_826 = arith.addi %sub3A_824, %add3A_825 : i32
      %mul3A_827 = arith.constant 128 : i32
      %mul3A_828 = arith.muli %add3A_826, %mul3A_827 : i32
      %dma_start3A_829 = arith.constant 4 : i32
      %dma_start3A_830 = arith.constant 0 : i32
      %dma_start3A_831 = arith.constant 0 : i32
      %dma_start3A_832 = tpu.memref_slice %arg10[%dma_start3A_829, %dma_start3A_830, %dma_start3A_831] : memref<5x128x128xf32, #tpu.memory_space<vmem>> -> memref<1x128x128xf32, #tpu.memory_space<vmem>>
      %dma_start3A_833 = tpu.memref_squeeze %dma_start3A_832 : memref<1x128x128xf32, #tpu.memory_space<vmem>> -> memref<128x128xf32, #tpu.memory_space<vmem>>
      %dma_start3A_834 = tpu.memref_slice %arg9[%mul3A_828] : memref<10240xi32, #tpu.memory_space<vmem>> -> memref<128xi32, #tpu.memory_space<vmem>>
      %dma_start3A_835 = arith.constant 0 : i32
      %dma_start3A_836 = arith.constant 0 : i32
      %dma_start3A_837 = tpu.memref_slice %arg11[%dma_start3A_835, %dma_start3A_836] : memref<64x128xf32, #tpu.memory_space<vmem_shared>> -> memref<64x128xf32, #tpu.memory_space<vmem_shared>>
      tpu.enqueue_indirect_dma source(%dma_start3A_837 : memref<64x128xf32, #tpu.memory_space<vmem_shared>>) target(%dma_start3A_833 : memref<128x128xf32, #tpu.memory_space<vmem>>) offsets(%dma_start3A_834 : memref<128xi32, #tpu.memory_space<vmem>>) semaphore(%arg16 : memref<!tpu.dma_semaphore, #tpu.memory_space<semaphore_mem>>)
      %dma_wait3A_838 = arith.constant 0 : i32
      %dma_wait3A_839 = arith.constant 0 : i32
      %dma_wait3A_840 = arith.constant 0 : i32
      %dma_wait3A_841 = tpu.memref_slice %arg10[%dma_wait3A_838, %dma_wait3A_839, %dma_wait3A_840] : memref<5x128x128xf32, #tpu.memory_space<vmem>> -> memref<1x128x128xf32, #tpu.memory_space<vmem>>
      %dma_wait3A_842 = tpu.memref_squeeze %dma_wait3A_841 : memref<1x128x128xf32, #tpu.memory_space<vmem>> -> memref<128x128xf32, #tpu.memory_space<vmem>>
      %dma_wait3A_843 = arith.constant 0 : i32
      %dma_wait3A_844 = tpu.memref_slice %arg9[%dma_wait3A_843] : memref<10240xi32, #tpu.memory_space<vmem>> -> memref<128xi32, #tpu.memory_space<vmem>>
      %dma_wait3A_845 = arith.constant 0 : i32
      %dma_wait3A_846 = arith.constant 0 : i32
      %dma_wait3A_847 = tpu.memref_slice %arg11[%dma_wait3A_845, %dma_wait3A_846] : memref<64x128xf32, #tpu.memory_space<vmem_shared>> -> memref<64x128xf32, #tpu.memory_space<vmem_shared>>
      tpu.wait_indirect_dma semaphore(%arg12 : memref<!tpu.dma_semaphore, #tpu.memory_space<semaphore_mem>>) src(%dma_wait3A_847 : memref<64x128xf32, #tpu.memory_space<vmem_shared>>) dst(%dma_wait3A_842 : memref<128x128xf32, #tpu.memory_space<vmem>>)
      %mul3A_848 = arith.constant 128 : i32
      %mul3A_849 = arith.muli %add3A_807, %mul3A_848 : i32
      %add3A_850 = arith.addi %mul3A_285, %mul3A_849 : i32
      %min3A_851 = arith.constant 319872 : i32
      %min3A_852 = arith.minsi %add3A_850, %min3A_851 : i32
      %dma_start3A_853 = arith.constant 0 : i32
      %dma_start3A_854 = arith.constant 0 : i32
      %dma_start3A_855 = arith.constant 0 : i32
      %dma_start3A_856 = tpu.memref_slice %arg10[%dma_start3A_853, %dma_start3A_854, %dma_start3A_855] : memref<5x128x128xf32, #tpu.memory_space<vmem>> -> memref<1x128x128xf32, #tpu.memory_space<vmem>>
      %dma_start3A_857 = tpu.memref_squeeze %dma_start3A_856 : memref<1x128x128xf32, #tpu.memory_space<vmem>> -> memref<128x128xf32, #tpu.memory_space<vmem>>
      %dma_start3A_858 = arith.constant 0 : i32
      %dma_start3A_859 = tpu.memref_slice %arg7[%min3A_852, %dma_start3A_858] : memref<320000x128xf32, #tpu.memory_space<hbm>> -> memref<128x128xf32, #tpu.memory_space<hbm>>
      %dma_start3A_860 = arith.constant 0 : i32
      %dma_start3A_861 = tpu.memref_slice %arg7[%min3A_852, %dma_start3A_860] : memref<320000x128xf32, #tpu.memory_space<hbm>> -> memref<128x128xf32, #tpu.memory_space<hbm>>
      %dma_start3A_862 = arith.constant 0 : i32
      %dma_start3A_863 = arith.constant 0 : i32
      %dma_start3A_864 = tpu.memref_slice %arg10[%dma_start3A_853, %dma_start3A_862, %dma_start3A_863] : memref<5x128x128xf32, #tpu.memory_space<vmem>> -> memref<1x128x128xf32, #tpu.memory_space<vmem>>
      %dma_start3A_865 = tpu.memref_squeeze %dma_start3A_864 : memref<1x128x128xf32, #tpu.memory_space<vmem>> -> memref<128x128xf32, #tpu.memory_space<vmem>>
      tpu.enqueue_dma source(%dma_start3A_865 : memref<128x128xf32, #tpu.memory_space<vmem>>) target(%dma_start3A_861 : memref<128x128xf32, #tpu.memory_space<hbm>>) target_semaphore(%arg17 : memref<!tpu.dma_semaphore, #tpu.memory_space<semaphore_mem>>)
      %scan3A_866 = arith.constant 0 : i32
      scf.yield %scan3A_866 : i32
    }
    %scan3A_369 = arith.constant 15 : i32
    %dma_wait3A_370 = arith.constant 0 : i32
    %dma_wait3A_371 = arith.constant 0 : i32
    %dma_wait3A_372 = arith.constant 0 : i32
    %dma_wait3A_373 = tpu.memref_slice %arg10[%dma_wait3A_370, %dma_wait3A_371, %dma_wait3A_372] : memref<5x128x128xf32, #tpu.memory_space<vmem>> -> memref<1x128x128xf32, #tpu.memory_space<vmem>>
    %dma_wait3A_374 = tpu.memref_squeeze %dma_wait3A_373 : memref<1x128x128xf32, #tpu.memory_space<vmem>> -> memref<128x128xf32, #tpu.memory_space<vmem>>
    %dma_wait3A_375 = arith.constant 0 : i32
    %dma_wait3A_376 = arith.constant 0 : i32
    %dma_wait3A_377 = tpu.memref_slice %arg7[%dma_wait3A_375, %dma_wait3A_376] : memref<320000x128xf32, #tpu.memory_space<hbm>> -> memref<128x128xf32, #tpu.memory_space<hbm>>
    %dma_wait3A_378 = arith.constant 0 : i32
    %dma_wait3A_379 = arith.constant 0 : i32
    %dma_wait3A_380 = tpu.memref_slice %arg7[%dma_wait3A_378, %dma_wait3A_379] : memref<320000x128xf32, #tpu.memory_space<hbm>> -> memref<128x128xf32, #tpu.memory_space<hbm>>
    %dma_wait3A_381 = arith.constant 0 : i32
    %dma_wait3A_382 = arith.constant 0 : i32
    %dma_wait3A_383 = tpu.memref_slice %arg10[%dma_wait3A_370, %dma_wait3A_381, %dma_wait3A_382] : memref<5x128x128xf32, #tpu.memory_space<vmem>> -> memref<1x128x128xf32, #tpu.memory_space<vmem>>
    %dma_wait3A_384 = tpu.memref_squeeze %dma_wait3A_383 : memref<1x128x128xf32, #tpu.memory_space<vmem>> -> memref<128x128xf32, #tpu.memory_space<vmem>>
    tpu.wait_dma2 semaphore(%arg17 : memref<!tpu.dma_semaphore, #tpu.memory_space<semaphore_mem>>) src(%dma_wait3A_384 : memref<128x128xf32, #tpu.memory_space<vmem>>) dst(%dma_wait3A_380 : memref<128x128xf32, #tpu.memory_space<hbm>>)
    %dma_wait3A_385 = arith.constant 1 : i32
    %dma_wait3A_386 = arith.constant 0 : i32
    %dma_wait3A_387 = arith.constant 0 : i32
    %dma_wait3A_388 = tpu.memref_slice %arg10[%dma_wait3A_385, %dma_wait3A_386, %dma_wait3A_387] : memref<5x128x128xf32, #tpu.memory_space<vmem>> -> memref<1x128x128xf32, #tpu.memory_space<vmem>>
    %dma_wait3A_389 = tpu.memref_squeeze %dma_wait3A_388 : memref<1x128x128xf32, #tpu.memory_space<vmem>> -> memref<128x128xf32, #tpu.memory_space<vmem>>
    %dma_wait3A_390 = arith.constant 0 : i32
    %dma_wait3A_391 = tpu.memref_slice %arg9[%dma_wait3A_390] : memref<10240xi32, #tpu.memory_space<vmem>> -> memref<128xi32, #tpu.memory_space<vmem>>
    %dma_wait3A_392 = arith.constant 0 : i32
    %dma_wait3A_393 = arith.constant 0 : i32
    %dma_wait3A_394 = tpu.memref_slice %arg11[%dma_wait3A_392, %dma_wait3A_393] : memref<64x128xf32, #tpu.memory_space<vmem_shared>> -> memref<64x128xf32, #tpu.memory_space<vmem_shared>>
    tpu.wait_indirect_dma semaphore(%arg13 : memref<!tpu.dma_semaphore, #tpu.memory_space<semaphore_mem>>) src(%dma_wait3A_394 : memref<64x128xf32, #tpu.memory_space<vmem_shared>>) dst(%dma_wait3A_389 : memref<128x128xf32, #tpu.memory_space<vmem>>)
    %add3A_395 = arith.constant 9728 : i32
    %add3A_396 = arith.addi %mul3A_285, %add3A_395 : i32
    %min3A_397 = arith.constant 319872 : i32
    %min3A_398 = arith.minsi %add3A_396, %min3A_397 : i32
    %dma_start3A_399 = arith.constant 1 : i32
    %dma_start3A_400 = arith.constant 0 : i32
    %dma_start3A_401 = arith.constant 0 : i32
    %dma_start3A_402 = tpu.memref_slice %arg10[%dma_start3A_399, %dma_start3A_400, %dma_start3A_401] : memref<5x128x128xf32, #tpu.memory_space<vmem>> -> memref<1x128x128xf32, #tpu.memory_space<vmem>>
    %dma_start3A_403 = tpu.memref_squeeze %dma_start3A_402 : memref<1x128x128xf32, #tpu.memory_space<vmem>> -> memref<128x128xf32, #tpu.memory_space<vmem>>
    %dma_start3A_404 = arith.constant 0 : i32
    %dma_start3A_405 = tpu.memref_slice %arg7[%min3A_398, %dma_start3A_404] : memref<320000x128xf32, #tpu.memory_space<hbm>> -> memref<128x128xf32, #tpu.memory_space<hbm>>
    %dma_start3A_406 = arith.constant 0 : i32
    %dma_start3A_407 = tpu.memref_slice %arg7[%min3A_398, %dma_start3A_406] : memref<320000x128xf32, #tpu.memory_space<hbm>> -> memref<128x128xf32, #tpu.memory_space<hbm>>
    %dma_start3A_408 = arith.constant 0 : i32
    %dma_start3A_409 = arith.constant 0 : i32
    %dma_start3A_410 = tpu.memref_slice %arg10[%dma_start3A_399, %dma_start3A_408, %dma_start3A_409] : memref<5x128x128xf32, #tpu.memory_space<vmem>> -> memref<1x128x128xf32, #tpu.memory_space<vmem>>
    %dma_start3A_411 = tpu.memref_squeeze %dma_start3A_410 : memref<1x128x128xf32, #tpu.memory_space<vmem>> -> memref<128x128xf32, #tpu.memory_space<vmem>>
    tpu.enqueue_dma source(%dma_start3A_411 : memref<128x128xf32, #tpu.memory_space<vmem>>) target(%dma_start3A_407 : memref<128x128xf32, #tpu.memory_space<hbm>>) target_semaphore(%arg18 : memref<!tpu.dma_semaphore, #tpu.memory_space<semaphore_mem>>)
    %dma_wait3A_412 = arith.constant 1 : i32
    %dma_wait3A_413 = arith.constant 0 : i32
    %dma_wait3A_414 = arith.constant 0 : i32
    %dma_wait3A_415 = tpu.memref_slice %arg10[%dma_wait3A_412, %dma_wait3A_413, %dma_wait3A_414] : memref<5x128x128xf32, #tpu.memory_space<vmem>> -> memref<1x128x128xf32, #tpu.memory_space<vmem>>
    %dma_wait3A_416 = tpu.memref_squeeze %dma_wait3A_415 : memref<1x128x128xf32, #tpu.memory_space<vmem>> -> memref<128x128xf32, #tpu.memory_space<vmem>>
    %dma_wait3A_417 = arith.constant 0 : i32
    %dma_wait3A_418 = arith.constant 0 : i32
    %dma_wait3A_419 = tpu.memref_slice %arg7[%dma_wait3A_417, %dma_wait3A_418] : memref<320000x128xf32, #tpu.memory_space<hbm>> -> memref<128x128xf32, #tpu.memory_space<hbm>>
    %dma_wait3A_420 = arith.constant 0 : i32
    %dma_wait3A_421 = arith.constant 0 : i32
    %dma_wait3A_422 = tpu.memref_slice %arg7[%dma_wait3A_420, %dma_wait3A_421] : memref<320000x128xf32, #tpu.memory_space<hbm>> -> memref<128x128xf32, #tpu.memory_space<hbm>>
    %dma_wait3A_423 = arith.constant 0 : i32
    %dma_wait3A_424 = arith.constant 0 : i32
    %dma_wait3A_425 = tpu.memref_slice %arg10[%dma_wait3A_412, %dma_wait3A_423, %dma_wait3A_424] : memref<5x128x128xf32, #tpu.memory_space<vmem>> -> memref<1x128x128xf32, #tpu.memory_space<vmem>>
    %dma_wait3A_426 = tpu.memref_squeeze %dma_wait3A_425 : memref<1x128x128xf32, #tpu.memory_space<vmem>> -> memref<128x128xf32, #tpu.memory_space<vmem>>
    tpu.wait_dma2 semaphore(%arg18 : memref<!tpu.dma_semaphore, #tpu.memory_space<semaphore_mem>>) src(%dma_wait3A_426 : memref<128x128xf32, #tpu.memory_space<vmem>>) dst(%dma_wait3A_422 : memref<128x128xf32, #tpu.memory_space<hbm>>)
    %dma_wait3A_427 = arith.constant 2 : i32
    %dma_wait3A_428 = arith.constant 0 : i32
    %dma_wait3A_429 = arith.constant 0 : i32
    %dma_wait3A_430 = tpu.memref_slice %arg10[%dma_wait3A_427, %dma_wait3A_428, %dma_wait3A_429] : memref<5x128x128xf32, #tpu.memory_space<vmem>> -> memref<1x128x128xf32, #tpu.memory_space<vmem>>
    %dma_wait3A_431 = tpu.memref_squeeze %dma_wait3A_430 : memref<1x128x128xf32, #tpu.memory_space<vmem>> -> memref<128x128xf32, #tpu.memory_space<vmem>>
    %dma_wait3A_432 = arith.constant 0 : i32
    %dma_wait3A_433 = tpu.memref_slice %arg9[%dma_wait3A_432] : memref<10240xi32, #tpu.memory_space<vmem>> -> memref<128xi32, #tpu.memory_space<vmem>>
    %dma_wait3A_434 = arith.constant 0 : i32
    %dma_wait3A_435 = arith.constant 0 : i32
    %dma_wait3A_436 = tpu.memref_slice %arg11[%dma_wait3A_434, %dma_wait3A_435] : memref<64x128xf32, #tpu.memory_space<vmem_shared>> -> memref<64x128xf32, #tpu.memory_space<vmem_shared>>
    tpu.wait_indirect_dma semaphore(%arg14 : memref<!tpu.dma_semaphore, #tpu.memory_space<semaphore_mem>>) src(%dma_wait3A_436 : memref<64x128xf32, #tpu.memory_space<vmem_shared>>) dst(%dma_wait3A_431 : memref<128x128xf32, #tpu.memory_space<vmem>>)
    %add3A_437 = arith.constant 9856 : i32
    %add3A_438 = arith.addi %mul3A_285, %add3A_437 : i32
    %min3A_439 = arith.constant 319872 : i32
    %min3A_440 = arith.minsi %add3A_438, %min3A_439 : i32
    %dma_start3A_441 = arith.constant 2 : i32
    %dma_start3A_442 = arith.constant 0 : i32
    %dma_start3A_443 = arith.constant 0 : i32
    %dma_start3A_444 = tpu.memref_slice %arg10[%dma_start3A_441, %dma_start3A_442, %dma_start3A_443] : memref<5x128x128xf32, #tpu.memory_space<vmem>> -> memref<1x128x128xf32, #tpu.memory_space<vmem>>
    %dma_start3A_445 = tpu.memref_squeeze %dma_start3A_444 : memref<1x128x128xf32, #tpu.memory_space<vmem>> -> memref<128x128xf32, #tpu.memory_space<vmem>>
    %dma_start3A_446 = arith.constant 0 : i32
    %dma_start3A_447 = tpu.memref_slice %arg7[%min3A_440, %dma_start3A_446] : memref<320000x128xf32, #tpu.memory_space<hbm>> -> memref<128x128xf32, #tpu.memory_space<hbm>>
    %dma_start3A_448 = arith.constant 0 : i32
    %dma_start3A_449 = tpu.memref_slice %arg7[%min3A_440, %dma_start3A_448] : memref<320000x128xf32, #tpu.memory_space<hbm>> -> memref<128x128xf32, #tpu.memory_space<hbm>>
    %dma_start3A_450 = arith.constant 0 : i32
    %dma_start3A_451 = arith.constant 0 : i32
    %dma_start3A_452 = tpu.memref_slice %arg10[%dma_start3A_441, %dma_start3A_450, %dma_start3A_451] : memref<5x128x128xf32, #tpu.memory_space<vmem>> -> memref<1x128x128xf32, #tpu.memory_space<vmem>>
    %dma_start3A_453 = tpu.memref_squeeze %dma_start3A_452 : memref<1x128x128xf32, #tpu.memory_space<vmem>> -> memref<128x128xf32, #tpu.memory_space<vmem>>
    tpu.enqueue_dma source(%dma_start3A_453 : memref<128x128xf32, #tpu.memory_space<vmem>>) target(%dma_start3A_449 : memref<128x128xf32, #tpu.memory_space<hbm>>) target_semaphore(%arg19 : memref<!tpu.dma_semaphore, #tpu.memory_space<semaphore_mem>>)
    %dma_wait3A_454 = arith.constant 2 : i32
    %dma_wait3A_455 = arith.constant 0 : i32
    %dma_wait3A_456 = arith.constant 0 : i32
    %dma_wait3A_457 = tpu.memref_slice %arg10[%dma_wait3A_454, %dma_wait3A_455, %dma_wait3A_456] : memref<5x128x128xf32, #tpu.memory_space<vmem>> -> memref<1x128x128xf32, #tpu.memory_space<vmem>>
    %dma_wait3A_458 = tpu.memref_squeeze %dma_wait3A_457 : memref<1x128x128xf32, #tpu.memory_space<vmem>> -> memref<128x128xf32, #tpu.memory_space<vmem>>
    %dma_wait3A_459 = arith.constant 0 : i32
    %dma_wait3A_460 = arith.constant 0 : i32
    %dma_wait3A_461 = tpu.memref_slice %arg7[%dma_wait3A_459, %dma_wait3A_460] : memref<320000x128xf32, #tpu.memory_space<hbm>> -> memref<128x128xf32, #tpu.memory_space<hbm>>
    %dma_wait3A_462 = arith.constant 0 : i32
    %dma_wait3A_463 = arith.constant 0 : i32
    %dma_wait3A_464 = tpu.memref_slice %arg7[%dma_wait3A_462, %dma_wait3A_463] : memref<320000x128xf32, #tpu.memory_space<hbm>> -> memref<128x128xf32, #tpu.memory_space<hbm>>
    %dma_wait3A_465 = arith.constant 0 : i32
    %dma_wait3A_466 = arith.constant 0 : i32
    %dma_wait3A_467 = tpu.memref_slice %arg10[%dma_wait3A_454, %dma_wait3A_465, %dma_wait3A_466] : memref<5x128x128xf32, #tpu.memory_space<vmem>> -> memref<1x128x128xf32, #tpu.memory_space<vmem>>
    %dma_wait3A_468 = tpu.memref_squeeze %dma_wait3A_467 : memref<1x128x128xf32, #tpu.memory_space<vmem>> -> memref<128x128xf32, #tpu.memory_space<vmem>>
    tpu.wait_dma2 semaphore(%arg19 : memref<!tpu.dma_semaphore, #tpu.memory_space<semaphore_mem>>) src(%dma_wait3A_468 : memref<128x128xf32, #tpu.memory_space<vmem>>) dst(%dma_wait3A_464 : memref<128x128xf32, #tpu.memory_space<hbm>>)
    %dma_wait3A_469 = arith.constant 3 : i32
    %dma_wait3A_470 = arith.constant 0 : i32
    %dma_wait3A_471 = arith.constant 0 : i32
    %dma_wait3A_472 = tpu.memref_slice %arg10[%dma_wait3A_469, %dma_wait3A_470, %dma_wait3A_471] : memref<5x128x128xf32, #tpu.memory_space<vmem>> -> memref<1x128x128xf32, #tpu.memory_space<vmem>>
    %dma_wait3A_473 = tpu.memref_squeeze %dma_wait3A_472 : memref<1x128x128xf32, #tpu.memory_space<vmem>> -> memref<128x128xf32, #tpu.memory_space<vmem>>
    %dma_wait3A_474 = arith.constant 0 : i32
    %dma_wait3A_475 = tpu.memref_slice %arg9[%dma_wait3A_474] : memref<10240xi32, #tpu.memory_space<vmem>> -> memref<128xi32, #tpu.memory_space<vmem>>
    %dma_wait3A_476 = arith.constant 0 : i32
    %dma_wait3A_477 = arith.constant 0 : i32
    %dma_wait3A_478 = tpu.memref_slice %arg11[%dma_wait3A_476, %dma_wait3A_477] : memref<64x128xf32, #tpu.memory_space<vmem_shared>> -> memref<64x128xf32, #tpu.memory_space<vmem_shared>>
    tpu.wait_indirect_dma semaphore(%arg15 : memref<!tpu.dma_semaphore, #tpu.memory_space<semaphore_mem>>) src(%dma_wait3A_478 : memref<64x128xf32, #tpu.memory_space<vmem_shared>>) dst(%dma_wait3A_473 : memref<128x128xf32, #tpu.memory_space<vmem>>)
    %add3A_479 = arith.constant 9984 : i32
    %add3A_480 = arith.addi %mul3A_285, %add3A_479 : i32
    %min3A_481 = arith.constant 319872 : i32
    %min3A_482 = arith.minsi %add3A_480, %min3A_481 : i32
    %dma_start3A_483 = arith.constant 3 : i32
    %dma_start3A_484 = arith.constant 0 : i32
    %dma_start3A_485 = arith.constant 0 : i32
    %dma_start3A_486 = tpu.memref_slice %arg10[%dma_start3A_483, %dma_start3A_484, %dma_start3A_485] : memref<5x128x128xf32, #tpu.memory_space<vmem>> -> memref<1x128x128xf32, #tpu.memory_space<vmem>>
    %dma_start3A_487 = tpu.memref_squeeze %dma_start3A_486 : memref<1x128x128xf32, #tpu.memory_space<vmem>> -> memref<128x128xf32, #tpu.memory_space<vmem>>
    %dma_start3A_488 = arith.constant 0 : i32
    %dma_start3A_489 = tpu.memref_slice %arg7[%min3A_482, %dma_start3A_488] : memref<320000x128xf32, #tpu.memory_space<hbm>> -> memref<128x128xf32, #tpu.memory_space<hbm>>
    %dma_start3A_490 = arith.constant 0 : i32
    %dma_start3A_491 = tpu.memref_slice %arg7[%min3A_482, %dma_start3A_490] : memref<320000x128xf32, #tpu.memory_space<hbm>> -> memref<128x128xf32, #tpu.memory_space<hbm>>
    %dma_start3A_492 = arith.constant 0 : i32
    %dma_start3A_493 = arith.constant 0 : i32
    %dma_start3A_494 = tpu.memref_slice %arg10[%dma_start3A_483, %dma_start3A_492, %dma_start3A_493] : memref<5x128x128xf32, #tpu.memory_space<vmem>> -> memref<1x128x128xf32, #tpu.memory_space<vmem>>
    %dma_start3A_495 = tpu.memref_squeeze %dma_start3A_494 : memref<1x128x128xf32, #tpu.memory_space<vmem>> -> memref<128x128xf32, #tpu.memory_space<vmem>>
    tpu.enqueue_dma source(%dma_start3A_495 : memref<128x128xf32, #tpu.memory_space<vmem>>) target(%dma_start3A_491 : memref<128x128xf32, #tpu.memory_space<hbm>>) target_semaphore(%arg20 : memref<!tpu.dma_semaphore, #tpu.memory_space<semaphore_mem>>)
    %dma_wait3A_496 = arith.constant 3 : i32
    %dma_wait3A_497 = arith.constant 0 : i32
    %dma_wait3A_498 = arith.constant 0 : i32
    %dma_wait3A_499 = tpu.memref_slice %arg10[%dma_wait3A_496, %dma_wait3A_497, %dma_wait3A_498] : memref<5x128x128xf32, #tpu.memory_space<vmem>> -> memref<1x128x128xf32, #tpu.memory_space<vmem>>
    %dma_wait3A_500 = tpu.memref_squeeze %dma_wait3A_499 : memref<1x128x128xf32, #tpu.memory_space<vmem>> -> memref<128x128xf32, #tpu.memory_space<vmem>>
    %dma_wait3A_501 = arith.constant 0 : i32
    %dma_wait3A_502 = arith.constant 0 : i32
    %dma_wait3A_503 = tpu.memref_slice %arg7[%dma_wait3A_501, %dma_wait3A_502] : memref<320000x128xf32, #tpu.memory_space<hbm>> -> memref<128x128xf32, #tpu.memory_space<hbm>>
    %dma_wait3A_504 = arith.constant 0 : i32
    %dma_wait3A_505 = arith.constant 0 : i32
    %dma_wait3A_506 = tpu.memref_slice %arg7[%dma_wait3A_504, %dma_wait3A_505] : memref<320000x128xf32, #tpu.memory_space<hbm>> -> memref<128x128xf32, #tpu.memory_space<hbm>>
    %dma_wait3A_507 = arith.constant 0 : i32
    %dma_wait3A_508 = arith.constant 0 : i32
    %dma_wait3A_509 = tpu.memref_slice %arg10[%dma_wait3A_496, %dma_wait3A_507, %dma_wait3A_508] : memref<5x128x128xf32, #tpu.memory_space<vmem>> -> memref<1x128x128xf32, #tpu.memory_space<vmem>>
    %dma_wait3A_510 = tpu.memref_squeeze %dma_wait3A_509 : memref<1x128x128xf32, #tpu.memory_space<vmem>> -> memref<128x128xf32, #tpu.memory_space<vmem>>
    tpu.wait_dma2 semaphore(%arg20 : memref<!tpu.dma_semaphore, #tpu.memory_space<semaphore_mem>>) src(%dma_wait3A_510 : memref<128x128xf32, #tpu.memory_space<vmem>>) dst(%dma_wait3A_506 : memref<128x128xf32, #tpu.memory_space<hbm>>)
    %dma_wait3A_511 = arith.constant 4 : i32
    %dma_wait3A_512 = arith.constant 0 : i32
    %dma_wait3A_513 = arith.constant 0 : i32
    %dma_wait3A_514 = tpu.memref_slice %arg10[%dma_wait3A_511, %dma_wait3A_512, %dma_wait3A_513] : memref<5x128x128xf32, #tpu.memory_space<vmem>> -> memref<1x128x128xf32, #tpu.memory_space<vmem>>
    %dma_wait3A_515 = tpu.memref_squeeze %dma_wait3A_514 : memref<1x128x128xf32, #tpu.memory_space<vmem>> -> memref<128x128xf32, #tpu.memory_space<vmem>>
    %dma_wait3A_516 = arith.constant 0 : i32
    %dma_wait3A_517 = tpu.memref_slice %arg9[%dma_wait3A_516] : memref<10240xi32, #tpu.memory_space<vmem>> -> memref<128xi32, #tpu.memory_space<vmem>>
    %dma_wait3A_518 = arith.constant 0 : i32
    %dma_wait3A_519 = arith.constant 0 : i32
    %dma_wait3A_520 = tpu.memref_slice %arg11[%dma_wait3A_518, %dma_wait3A_519] : memref<64x128xf32, #tpu.memory_space<vmem_shared>> -> memref<64x128xf32, #tpu.memory_space<vmem_shared>>
    tpu.wait_indirect_dma semaphore(%arg16 : memref<!tpu.dma_semaphore, #tpu.memory_space<semaphore_mem>>) src(%dma_wait3A_520 : memref<64x128xf32, #tpu.memory_space<vmem_shared>>) dst(%dma_wait3A_515 : memref<128x128xf32, #tpu.memory_space<vmem>>)
    %add3A_521 = arith.constant 10112 : i32
    %add3A_522 = arith.addi %mul3A_285, %add3A_521 : i32
    %min3A_523 = arith.constant 319872 : i32
    %min3A_524 = arith.minsi %add3A_522, %min3A_523 : i32
    %dma_start3A_525 = arith.constant 4 : i32
    %dma_start3A_526 = arith.constant 0 : i32
    %dma_start3A_527 = arith.constant 0 : i32
    %dma_start3A_528 = tpu.memref_slice %arg10[%dma_start3A_525, %dma_start3A_526, %dma_start3A_527] : memref<5x128x128xf32, #tpu.memory_space<vmem>> -> memref<1x128x128xf32, #tpu.memory_space<vmem>>
    %dma_start3A_529 = tpu.memref_squeeze %dma_start3A_528 : memref<1x128x128xf32, #tpu.memory_space<vmem>> -> memref<128x128xf32, #tpu.memory_space<vmem>>
    %dma_start3A_530 = arith.constant 0 : i32
    %dma_start3A_531 = tpu.memref_slice %arg7[%min3A_524, %dma_start3A_530] : memref<320000x128xf32, #tpu.memory_space<hbm>> -> memref<128x128xf32, #tpu.memory_space<hbm>>
    %dma_start3A_532 = arith.constant 0 : i32
    %dma_start3A_533 = tpu.memref_slice %arg7[%min3A_524, %dma_start3A_532] : memref<320000x128xf32, #tpu.memory_space<hbm>> -> memref<128x128xf32, #tpu.memory_space<hbm>>
    %dma_start3A_534 = arith.constant 0 : i32
    %dma_start3A_535 = arith.constant 0 : i32
    %dma_start3A_536 = tpu.memref_slice %arg10[%dma_start3A_525, %dma_start3A_534, %dma_start3A_535] : memref<5x128x128xf32, #tpu.memory_space<vmem>> -> memref<1x128x128xf32, #tpu.memory_space<vmem>>
    %dma_start3A_537 = tpu.memref_squeeze %dma_start3A_536 : memref<1x128x128xf32, #tpu.memory_space<vmem>> -> memref<128x128xf32, #tpu.memory_space<vmem>>
    tpu.enqueue_dma source(%dma_start3A_537 : memref<128x128xf32, #tpu.memory_space<vmem>>) target(%dma_start3A_533 : memref<128x128xf32, #tpu.memory_space<hbm>>) target_semaphore(%arg21 : memref<!tpu.dma_semaphore, #tpu.memory_space<semaphore_mem>>)
    %dma_wait3A_538 = arith.constant 4 : i32
    %dma_wait3A_539 = arith.constant 0 : i32
    %dma_wait3A_540 = arith.constant 0 : i32
    %dma_wait3A_541 = tpu.memref_slice %arg10[%dma_wait3A_538, %dma_wait3A_539, %dma_wait3A_540] : memref<5x128x128xf32, #tpu.memory_space<vmem>> -> memref<1x128x128xf32, #tpu.memory_space<vmem>>
    %dma_wait3A_542 = tpu.memref_squeeze %dma_wait3A_541 : memref<1x128x128xf32, #tpu.memory_space<vmem>> -> memref<128x128xf32, #tpu.memory_space<vmem>>
    %dma_wait3A_543 = arith.constant 0 : i32
    %dma_wait3A_544 = arith.constant 0 : i32
    %dma_wait3A_545 = tpu.memref_slice %arg7[%dma_wait3A_543, %dma_wait3A_544] : memref<320000x128xf32, #tpu.memory_space<hbm>> -> memref<128x128xf32, #tpu.memory_space<hbm>>
    %dma_wait3A_546 = arith.constant 0 : i32
    %dma_wait3A_547 = arith.constant 0 : i32
    %dma_wait3A_548 = tpu.memref_slice %arg7[%dma_wait3A_546, %dma_wait3A_547] : memref<320000x128xf32, #tpu.memory_space<hbm>> -> memref<128x128xf32, #tpu.memory_space<hbm>>
    %dma_wait3A_549 = arith.constant 0 : i32
    %dma_wait3A_550 = arith.constant 0 : i32
    %dma_wait3A_551 = tpu.memref_slice %arg10[%dma_wait3A_538, %dma_wait3A_549, %dma_wait3A_550] : memref<5x128x128xf32, #tpu.memory_space<vmem>> -> memref<1x128x128xf32, #tpu.memory_space<vmem>>
    %dma_wait3A_552 = tpu.memref_squeeze %dma_wait3A_551 : memref<1x128x128xf32, #tpu.memory_space<vmem>> -> memref<128x128xf32, #tpu.memory_space<vmem>>
    tpu.wait_dma2 semaphore(%arg21 : memref<!tpu.dma_semaphore, #tpu.memory_space<semaphore_mem>>) src(%dma_wait3A_552 : memref<128x128xf32, #tpu.memory_space<vmem>>) dst(%dma_wait3A_548 : memref<128x128xf32, #tpu.memory_space<hbm>>)
    return
  }
}

</mosaic_0001>

<sc_bundles>
// kernel: _run.3.cloned.1.call-start
scs
__scs_entry_jumppad:
0x0: {  	(pc) =	sbr.rel $0x88, $3  }
0x1: {  	(tag) =	ssettag $0x0;
	lr =	simm.s32 $0x1  }
0x2: {  	[smem:$0x3F9D] =	sst lr;
	_ =	strace $0xD0000000  }
0x3: {  	_ = 	snop  }
0x4: {  	_ = 	snop  }
0x5: {  	_ = 	snop  }
0x6: {  	_ = 	snop  }
0x7: {  	_ = 	snop  }
__scs_overlays_trampoline_lowered:
0x8: {  	[smem:$0x3FAC] =	sst s0  }
0x9: {  	[smem:$0x3FAD] =	sst s1  }
0xa: {  	[smem:$0x3FAE] =	sst s2  }
0xb: {  	[smem:$0x3FAF] =	sst s3  }
0xc: {  	[smem:$0x3FB0] =	sst s4  }
0xd: {  	[smem:$0x3FB1] =	sst s5  }
0xe: {  	[smem:$0x3FB2] =	sst s6  }
0xf: {  	[smem:$0x3FB3] =	sst s7  }
0x10: {  	[smem:$0x3FB4] =	sst s8  }
0x11: {  	[smem:$0x3FB5] =	sst s9;
	s0 =	simm.s32 @!p0 $0x0  }
0x12: {  	s1 =	sld [smem:$0x3F9B];
	s0 =	simm.s32 @p0 $0x1  }
0x13: {  	[smem:$0x3FB6] =	sst s0;
	s0 =	simm.s32 @!p1 $0x0  }
0x14: {  	s2 =	sld [smem:$0x3F9A];
	s0 =	simm.s32 @p1 $0x1  }
0x15: {  	[smem:$0x3FB7] =	sst s0;
	s0 =	simm.s32 @!p2 $0x0  }
0x16: {  	s3 =	sld [smem:$0x3FDB];
	s0 =	simm.s32 @p2 $0x1  }
0x17: {  	s4 =	simm.s32 $0x1BF5;
	[smem:$0x3FB9] =	sst s0  }
0x18: {  	s0 =	sld [smem:$0x3F9C];
	_ =	swait.ge [sflag:s4], $0x0  }
0x19: {  	s7 =	sld [smem:$0x3F9D]  }
0x1a: {  	s8 =	sadd.s32 $0xFFFFE003, lr  }
0x1b: {  	s9 =	sadd.s32 $0xFFFFFEF7, lr;
	s5 =	simm.s32 $0xFFFFFFFF;
	p2 =	slt.u32 s8, $0xFFFFF086  }
0x1c: {  	p1 =	slt.u32 s9, $0xF7A;
	s5 =	simm.s32 @!p2 $0x0  }
0x1d: {  	s5 =	simm.s32 @p1 $0x1;
	p0 =	seq.s32 s7, s2  }
0x1e: {  	s7 =	smul.u32 @!p0 $0xF7A, s2;
	p2 =	seq.s32 @!p0 s5, $0x0  }
0x1f: {  	s9 =	smul.u32 $0xF7A, s1;
	s8 =	simm.s32 @!p0 $0x1BF5;
	p2 =	por !p2, p0  }
0x20: {  	[sflag:s8] =	ssyncset.s32 @!p0 $0xFFFFF086;
	s6 =	sadd.s32 @!p0 s3, s7;
	s7 =	simm.s32 @!p0 $0x108  }
0x21: {  	s3 =	sadd.s32 s3, s9;
	s6 =	sadd.s32 @!p0 $0x88, s6;
	s7 =	simm.s32 @p2 $0x1082  }
0x22: {  	[simem:s7], [sflag:s8] =	dma.local @!p0 [hbm:s6], $0xF7A  }
0x23: {  	s9 =	sor.u32 $0xD0000000, s2;
	s6 =	simm.s32 $0x108;
	_ =	swait.ge @!p0 [sflag:s8], $0x0  }
0x24: {  	s3 =	sadd.s32 $0x88, s3;
	s6 =	simm.s32 @!p1 $0x1082;
	[sflag:s4] =	ssyncset.s32 $0xFFFFF086  }
0x25: {  	[simem:s6], [sflag:s4] =	dma.local [hbm:s3], $0xF7A  }
0x26: {  	[smem:$0x3F9D] =	sst s1;
	(tag) =	ssettag s2;
	_ =	strace s9  }
0x27: {  	s1 =	sld [smem:$0x3FAD]  }
0x28: {  	s2 =	sld [smem:$0x3FAE]  }
0x29: {  	s4 =	sld [smem:$0x3FB0]  }
0x2a: {  	p0 =	seq.s32 s5, $0x0;
	s5 =	sld [smem:$0x3FB1]  }
0x2b: {  	s6 =	sld [smem:$0x3FB2]  }
0x2c: {  	s7 =	sld [smem:$0x3FB3]  }
0x2d: {  	s3 =	simm.s32 $0x108;
	s8 =	sld [smem:$0x3FB4]  }
0x2e: {  	s3 =	simm.s32 @!p0 $0x1082;
	s9 =	sld [smem:$0x3FB5]  }
0x2f: {  	lr =	sadd.s32 s0, s3;
	s0 =	sld [smem:$0x3FAC]  }
0x30: {  	s3 =	sld [smem:$0x3FAF]  }
0x31: {  	[smem:$0x3FB8] =	sst s10  }
0x32: {  	s10 =	sld [smem:$0x3FB6];
	_ =	sdelay $0x3  }
0x33: {  	p0 =	seq.s32 s10, $0x1;
	s10 =	sld [smem:$0x3FB8];
	_ =	sdelay $0x3  }
0x34: {  	[smem:$0x3FB8] =	sst s10  }
0x35: {  	s10 =	sld [smem:$0x3FB7];
	_ =	sdelay $0x3  }
0x36: {  	p1 =	seq.s32 s10, $0x1;
	s10 =	sld [smem:$0x3FB8];
	_ =	sdelay $0x3  }
0x37: {  	[smem:$0x3FB8] =	sst s10  }
0x38: {  	s10 =	sld [smem:$0x3FB9]  }
0x39: {  	_ = 	snop;
	(pc) =	sbr.ind lr, $3  }
0x3a: {  	_ = 	snop  }
0x3b: {  	_ = 	snop  }
0x3c: {  	p2 =	seq.s32 s10, $0x1;
	s10 =	sld [smem:$0x3FB8]  }
0x3d: {  	_ =	shalt  }
0x3e: {  	_ =	shalt  }
0x3f: {  	_ =	shalt  }
0x40: {  	_ =	shalt  }
0x41: {  	_ =	shalt  }
0x42: {  	_ =	shalt  }
0x43: {  	_ =	shalt  }
0x44: {  	_ =	shalt  }
0x45: {  	_ =	shalt  }
0x46: {  	_ =	shalt  }
0x47: {  	_ =	shalt  }
0x48: {  	_ =	shalt  }
0x49: {  	_ =	shalt  }
0x4a: {  	_ =	shalt  }
0x4b: {  	_ =	shalt  }
0x4c: {  	_ =	shalt  }
0x4d: {  	_ =	shalt  }
0x4e: {  	_ =	shalt  }
0x4f: {  	_ =	shalt  }
0x50: {  	_ =	shalt  }
0x51: {  	_ =	shalt  }
0x52: {  	_ =	shalt  }
0x53: {  	_ =	shalt  }
0x54: {  	_ =	shalt  }
0x55: {  	_ =	shalt  }
0x56: {  	_ =	shalt  }
0x57: {  	_ =	shalt  }
0x58: {  	_ =	shalt  }
0x59: {  	_ =	shalt  }
0x5a: {  	_ =	shalt  }
0x5b: {  	_ =	shalt  }
0x5c: {  	_ =	shalt  }
0x5d: {  	_ =	shalt  }
0x5e: {  	_ =	shalt  }
0x5f: {  	_ =	shalt  }
0x60: {  	_ =	shalt  }
0x61: {  	_ =	shalt  }
0x62: {  	_ =	shalt  }
0x63: {  	_ =	shalt  }
0x64: {  	_ =	shalt  }
0x65: {  	_ =	shalt  }
0x66: {  	_ =	shalt  }
0x67: {  	_ =	shalt  }
0x68: {  	_ =	shalt  }
0x69: {  	_ =	shalt  }
0x6a: {  	_ =	shalt  }
0x6b: {  	_ =	shalt  }
0x6c: {  	_ =	shalt  }
0x6d: {  	_ =	shalt  }
0x6e: {  	_ =	shalt  }
0x6f: {  	_ =	shalt  }
0x70: {  	_ =	shalt  }
0x71: {  	_ =	shalt  }
0x72: {  	_ =	shalt  }
0x73: {  	_ =	shalt  }
0x74: {  	_ =	shalt  }
0x75: {  	_ =	shalt  }
0x76: {  	_ =	shalt  }
0x77: {  	_ =	shalt  }
0x78: {  	_ =	shalt  }
0x79: {  	_ =	shalt  }
0x7a: {  	_ =	shalt  }
0x7b: {  	_ =	shalt  }
0x7c: {  	_ =	shalt  }
0x7d: {  	_ =	shalt  }
0x7e: {  	_ =	shalt  }
0x7f: {  	_ =	shalt  }
0x80: {  	_ =	shalt  }
0x81: {  	_ =	shalt  }
0x82: {  	_ =	shalt  }
0x83: {  	_ =	shalt  }
0x84: {  	_ =	shalt  }
0x85: {  	_ =	shalt  }
0x86: {  	_ =	shalt  }
0x87: {  	_ =	shalt  }
.Lfunc_end0:
.L_simem_size_0:
called_computation_lowered:
.L_overlay_start_0:
0x88: {  	s2 =	sld [smem:$0x3FD9]  }
0x89: {  	s3 =	sld [smem:$0x3FFE];
	_ =	sdelay $0x1  }
0x8a: {  	s1 =	srdreg.scid  }
0x8b: {  	s0 =	sand.u32 $0x1, s1  }
0x8c: {  	s15 =	sshll.u32 s0, $0xA;
	s2 =	sadd.s32 s3, s2  }
0x8d: {  	s2 =	sadd.s32 s2, s15  }
0x8e: {  	[smem:$0x3FC4] =	sst s2  }
0x8f: {  	_ = 	snop  }
0x90: {  	s2 =	sld [smem:$0x3FC9]  }
0x91: {  	s16 =	sld [smem:$0x3FD0]  }
0x92: {  	s4 =	sld [smem:$0x3FC8]  }
0x93: {  	s5 =	sld [smem:$0x3FC7]  }
0x94: {  	s7 =	simm.s32 $0xA;
	s8 =	simm.s32 $0x10;
	s6 =	sld [smem:$0x3FC6]  }
0x95: {  	[smem:s8], [sflag:s7] =	dma.local [hbm:s16], $0x1  }
0x96: {  	_ =	swait.eq [sflag:s7], $0x1  }
0x97: {  	[sflag:s7] =	ssyncset.done $0x0  }
0x98: {  	s17 =	sld [smem:$0x10];
	[sflag:s7] =	ssyncadd.s32 $0xFFFFFFFF  }
0x99: {  	s18 =	sld [smem:$0x11];
	(tm) =	ssettm $0x1  }
0x9a: {  	s19 =	sld [smem:$0x3FFB];
	_ =	sdelay $0x3  }
0x9b: {  	_ =	strace s19  }
0x9c: {  	s8 =	sld [smem:$0x3FFC];
	_ =	sdelay $0x3  }
0x9d: {  	_ =	strace s8  }
0x9e: {  	s8 =	sld [smem:$0x3FFD];
	_ =	sdelay $0x3  }
0x9f: {  	_ =	strace s8  }
0xa0: {  	_ =	strace $0x8FFFFFFF  }
0xa1: {  	s20 =	sld [smem:$0x3FDB];
	_ =	sdelay $0x1  }
0xa2: {  	s9 =	simm.s32 $_scs_section_size  }
0xa3: {  	s10 =	simm.s32 $_size__tile_overlayer_lowered;
	s11 =	simm.s32 $_tile_overlayer_lowered  }
0xa4: {  	s23 =	simm.s32 $0x1BFF;
	s22 =	sshll.u32 s11, $0x1;
	s8 =	sadd.s32 s9, s20  }
0xa5: {  	s12 =	simm.s32 $0x0;
	s21 =	sshll.u32 s10, $0x1;
	s10 =	sadd.s32 s22, s8  }
0xa6: {  	[timem:s12], [sflag:s23] =	dma.local [hbm:s10], s21  }
0xa7: {  	_ =	swait.ge [sflag:s23], s21  }
0xa8: {  	s9 =	ssub.s32 $0x0, s21;
	[sflag:s23] =	ssyncset.done $0x0  }
0xa9: {  	[sflag:s23] =	ssyncadd.s32 s9;
	_ =	sdelay $0x1  }
0xaa: {  	s24 =	simm.s32 $0x1B8B  }
0xab: {  	_ =	swait.ge [sflag:s24], $0x1  }
0xac: {  	[sflag:s24] =	ssyncset.done $0x0  }
0xad: {  	s25 =	simm.s32 $0x1B8E;
	[sflag:s24] =	ssyncadd.s32 $0xFFFFFFFF  }
0xae: {  	s26 =	simm.s32 $execute0_lowered;
	[smem:$0x3FD2] =	sst s25  }
0xaf: {  	s9 =	sshll.u32 s26, $0x1;
	_ =	strace $0x80000046;
	[dreg:$0x1] =	wrdreg $0xFFFFFFFF  }
0xb0: {  	s28 =	simm.s32 $_size_execute0_lowered;
	s8 =	sadd.s32 s8, s9;
	[dreg:$0x0] =	wrdreg $0x0  }
0xb1: {  	s9 =	sshll.u32 s28, $0x1;
	[dreg:$0x2] =	wrdreg s8  }
0xb2: {  	[dreg:$0x3] =	wrdreg s9  }
0xb3: {  	[dreg:$0x4] =	wrdreg $0xC0  }
0xb4: {  	_ =	task [dreg:s12], $0x5FFFF  }
0xb5: {  	[dreg:$0x1] =	wrdreg $0xFFFFFFFF  }
0xb6: {  	[dreg:$0x0] =	wrdreg $0x60  }
0xb7: {  	[dreg:$0x2] =	wrdreg s2  }
0xb8: {  	[dreg:$0x3] =	wrdreg s4  }
0xb9: {  	[dreg:$0x4] =	wrdreg s5  }
0xba: {  	[dreg:$0x5] =	wrdreg s6  }
0xbb: {  	[dreg:$0x6] =	wrdreg s17  }
0xbc: {  	[dreg:$0x7] =	wrdreg s18  }
0xbd: {  	[dreg:$0x8] =	wrdreg $0x174800  }
0xbe: {  	[dreg:$0x9] =	wrdreg $0x9  }
0xbf: {  	_ =	task.clear_ibuf [dreg:s12], $0xAFFFF;
	_ =	strace $0x90000046  }
0xc0: {  	s29 =	simm.s32 $0x9;
	_ =	strace $0x80000048  }
0xc1: {  	_ =	swait.ge [sflag:s29], $0x1  }
0xc2: {  	[sflag:s29] =	ssyncadd.s32 $0xFFFFFFFF  }
0xc3: {  	_ =	strace $0x90000048  }
0xc4: {  	_ =	sfence  }
0xc5: {  	s30 =	sld [smem:$0x0];
	_ =	sdelay $0x2  }
0xc6: {  	s31 =	sshll.u32 s1, $0xD;
	s1 =	sshrl.u32 s1, $0x2  }
0xc7: {  	s3 =	sand.u32 $0x4000, s31;
	s1 =	sadd.s32 s1, s30  }
0xc8: {  	s0 =	sor.u32 s3, s0;
	s1 =	sshll.u32 s1, $0x11  }
0xc9: {  	s0 =	sor.u32 s1, s0  }
0xca: {  	s0 =	sadd.s32 $0x8F2B, s0  }
0xcb: {  	[sflag:s0] =	ssyncadd.remote.s32 $0x1  }
0xcc: {  	_ =	sfence.sel $0xFFFF  }
0xcd: {  	[dreg:$0x0] =	wrdreg $0xFFFFFFFF;
	(pc) =	sbr.abs _section_cstart, $3  }
0xce: {  	[dreg:$0x1] =	wrdreg $0xFFFFFFFF  }
0xcf: {  	_ =	task.clear_ibuf [dreg:s12], $0x2FFFF;
	_ =	strace $0x9FFFFFFF  }
0xd0: {  	(tm) =	ssettm $0x7FFFFFFF  }
0xd1: {  	_ =	shalt  }
tec
execute0_lowered:
.L_overlay_start_1:
0x0: {  	(tag) =	ssettag $0x1  }
0x1: {  	s4 =	rddreg [dreg:$0x0]  }
0x2: {  	s7 =	rddreg [dreg:$0x1]  }
0x3: {  	s0 =	rddreg [dreg:$0x2]  }
0x4: {  	s2 =	rddreg [dreg:$0x4]  }
0x5: {  	s3 =	rddreg [dreg:$0x5];
	s6 =	srdreg.scid  }
0x6: {  	s1 =	stileid.u32;
	s5 =	rddreg [dreg:$0x6]  }
0x7: {  	s28 =	simm.s32 $0x7480;
	s8 =	sand.u32 $0x1, s6;
	s9 =	sshll.u32 s1, $0x1  }
0x8: {  	s30 =	simm.s32 $0xB480;
	s29 =	simm.s32 $0x13480;
	s9 =	sor.u32 s8, s9  }
0x9: {  	s31 =	simm.s32 $0x1;
	s6 =	simm.s32 $0x0;
	s11 =	smul.u32 $0xC80, s9  }
0xa: {  	p0 =	sne.s32 s1, $0x0;
	s10 =	ssub.s32 $0x2, s8;
	s13 =	smul.u32 $0x2800, s9  }
0xb: {  	[smem:$0x7FF] =	sst s6;
	s12 =	sshrl.u32 s10, $0x1;
	s14 =	smul.u32 $0xC800, s9  }
0xc: {  	_ =	strace $0x80000047;
	s26 =	smul.u32 $0x28000, s9;
	s10 =	ssub.s32 s10, s12  }
0xd: {  	s15 =	sshrl.u32 s11, $0x3;
	s16 =	sshrl.u32 s13, $0x3;
	s17 =	smin.u32 s11, $0x17BA0  }
0xe: {  	s18 =	sadd.s32 s2, s14;
	s20 =	smin.u32 s11, $0x17B20;
	s21 =	smin.u32 s11, $0x17AA0  }
0xf: {  	s11 =	smin.u32 s11, $0x17A20;
	s14 =	smin.u32 s13, $0x4BB00;
	s4 =	sadd.s32 s4, s15  }
0x10: {  	[dreg:$0xa] =	wrdreg s18;
	s19 =	sshll.u32 s17, $0x4;
	s17 =	smul.u32 $0x1900, s1  }
0x11: {  	s22 =	sshll.u32 s20, $0x4;
	s23 =	sshll.u32 s21, $0x4;
	s20 =	smul.u32 $0xC80, s8  }
0x12: {  	s25 =	sshll.u32 s11, $0x4;
	s11 =	smin.u32 s13, $0x4BB80;
	s21 =	smul.u32 $0x5000, s1  }
0x13: {  	s15 =	sshll.u32 s14, $0x4;
	s18 =	smin.u32 s13, $0x4BA80;
	s8 =	smul.u32 $0x2800, s8  }
0x14: {  	s1 =	simm.s32 $0x6;
	s14 =	simm.s32 $0xA;
	[dreg:$0x8] =	wrdreg s4  }
0x15: {  	s4 =	sadd.s32 s7, s16;
	s7 =	sadd.s32 s23, s2;
	s12 =	sshll.u32 s11, $0x4  }
0x16: {  	s16 =	sadd.s32 s15, s3;
	s9 =	sshll.u32 s18, $0x4;
	s15 =	simm.s32 $0x0  }
0x17: {  	[dreg:$0x9] =	wrdreg s4;
	s4 =	sadd.s32 s19, s2;
	s24 =	sadd.s32 $0xB800, s7  }
0x18: {  	s7 =	sadd.s32 s3, s26;
	s19 =	smin.u32 s13, $0x4BA00;
	s9 =	sadd.s32 s9, s3  }
0x19: {  	s26 =	sadd.s32 s8, s21;
	s8 =	simm.s32 $0x7;
	[dreg:$0xd] =	wrdreg s24  }
0x1a: {  	s13 =	simm.s32 $0x5;
	s4 =	sadd.s32 $0xA800, s4;
	[dreg:$0xf] =	wrdreg s7  }
0x1b: {  	s11 =	sshll.u32 s19, $0x4;
	s24 =	smax.u32 s10, $0x1;
	s21 =	sor.u32 $0x180, s26  }
0x1c: {  	s26 =	simm.s32 $0x3480;
	s7 =	simm.s32 $0x2;
	s10 =	simm.s32 $0x8  }
0x1d: {  	[dreg:$0xb] =	wrdreg s4;
	s4 =	sadd.s32 s22, s2;
	s11 =	sadd.s32 s11, s3  }
0x1e: {  	s22 =	sadd.s32 $0x27000, s9;
	[dreg:$0x14] =	wrdreg s24;
	s9 =	simm.s32 $0x3  }
0x1f: {  	s4 =	sadd.s32 $0xB000, s4;
	[dreg:$0x12] =	wrdreg s22;
	s23 =	sadd.s32 $0x27800, s11  }
0x20: {  	s22 =	sshrl.u32 @!p0 s5, $0x3;
	[dreg:$0xc] =	wrdreg s4;
	s4 =	sadd.s32 s25, s2  }
0x21: {  	s11 =	simm.s32 $0x4;
	[dreg:$0x13] =	wrdreg s23;
	s4 =	sadd.s32 $0xC000, s4  }
0x22: {  	s25 =	sadd.s32 s20, s17;
	[dreg:$0xe] =	wrdreg s4;
	s4 =	sadd.s32 s12, s3  }
0x23: {  	s23 =	simm.s32 $0xB;
	s17 =	sadd.s32 $0x180, s25;
	s4 =	sadd.s32 $0x26000, s4  }
0x24: {  	s25 =	simm.s32 $0x80;
	[dreg:$0x10] =	wrdreg s4;
	s4 =	sadd.s32 $0x26800, s16  }
0x25: {  	s12 =	simm.s32 $0x9;
	[dreg:$0x11] =	wrdreg s4;
	s4 =	simm.s32 $0xF480  }
.LBB2_1:
0x26: {  	s16 =	simm.s32 @!p0 $0x1C0C;
	s18 =	rddreg [dreg:$0x3]  }
0x27: {  	[spmem:s22], [sflag:s16] =	dma.local @!p0 [hbm:s18], $0x400  }
0x28: {  	s16 =	simm.s32 @!p0 $0xC  }
0x29: {  	_ =	swait.ge @!p0 [sflag:s16], $0x400  }
0x2a: {  	[sflag:s16] =	ssyncset.done @!p0 $0x0  }
0x2b: {  	s24 =	rddreg [dreg:$0x8];
	[sflag:s16] =	ssyncadd.s32 @!p0 $0xFFFFFC00  }
0x2c: {  	[tilespmem:s6], [sflag:$0xB] =	stream.linear.gather [hbm4b:s24+s6], $0xC80, $0x38;
	[tilespmem:$0x17680] =	vst v63  }
0x2d: {  	_ =	swait.ge [sflag:s23], $0xC80  }
0x2e: {  	[sflag:s23] =	ssyncset.done $0x0  }
0x2f: {  	s19 =	simm.s32 $0xC80;
	s18 =	rddreg [dreg:$0x9];
	[sflag:s23] =	ssyncadd.s32 $0xFFFFF380  }
0x30: {  	[tilespmem:s19], [sflag:$0xB] =	stream.linear.gather [hbm4b:s18+s6], $0x2800, $0x38;
	[tilespmem:$0x17680] =	vst v63  }
0x31: {  	_ =	swait.ge [sflag:s23], $0x2800  }
0x32: {  	[sflag:s23] =	ssyncset.done $0x0  }
0x33: {  	[sflag:s23] =	ssyncadd.s32 $0xFFFFD800  }
0x34: {  	[bflag:$0x0] =	sbarrier.arrive $0xFFFF  }
0x35: {  	[tilespmem:s26], [sflag:$0x1] =	stream.indirect.gather [hbm4b:s0+s25], $0x80, s6, s25, $0xb8;
	[tilespmem:$0x17680] =	vst v63  }
0x36: {  	_ = 	snop  }
0x37: {  	[tilespmem:s28], [sflag:$0x2] =	stream.indirect.gather [hbm4b:s0+s25], $0x80, s25, s25, $0xb8;
	[tilespmem:$0x17680] =	vst v63  }
0x38: {  	s20 =	simm.s32 $0x100  }
0x39: {  	[tilespmem:s30], [sflag:$0x3] =	stream.indirect.gather [hbm4b:s0+s25], $0x80, s20, s25, $0xb8;
	[tilespmem:$0x17680] =	vst v63  }
0x3a: {  	s24 =	simm.s32 $0x180  }
0x3b: {  	[tilespmem:s4], [sflag:$0x4] =	stream.indirect.gather [hbm4b:s0+s25], $0x80, s24, s25, $0xb8;
	[tilespmem:$0x17680] =	vst v63  }
0x3c: {  	s18 =	simm.s32 $0x200  }
0x3d: {  	[tilespmem:s29], [sflag:$0x5] =	stream.indirect.gather [hbm4b:s0+s25], $0x80, s18, s25, $0xb8;
	[tilespmem:$0x17680] =	vst v63  }
0x3e: {  	_ =	swait.ge [sflag:s31], $0x4000  }
0x3f: {  	[sflag:s31] =	ssyncset.done $0x0  }
0x40: {  	s19 =	rddreg [dreg:$0xa];
	[sflag:s31] =	ssyncadd.s32 $0xFFFFC000  }
0x41: {  	[hbm4b:s19+s6] =	stream.linear.scatter [tilespmem:s26], [sflag:$0x6], $0x4000, $0x38;
	[tilespmem:$0x17680] =	vst v63  }
0x42: {  	_ =	swait.ge [sflag:s1], $0x4000  }
0x43: {  	s16 =	sadd.s32 $0xFFFFFF00, s17;
	[sflag:s1] =	ssyncset.done $0x0  }
0x44: {  	p1 =	slt.s32 s16, $0x18620;
	s20 =	simm.s32 $0x280;
	[sflag:s1] =	ssyncadd.s32 $0xFFFFC000  }
0x45: {  	[tilespmem:s26], [sflag:$0x1] =	stream.indirect.gather [hbm4b:s0+s25], $0x80, s20, s25, $0xb8;
	[tilespmem:$0x17680] =	vst v63  }
0x46: {  	s16 =	simm.s32 @!p1 $0x18620;
	_ =	swait.ge [sflag:s7], $0x4000  }
0x47: {  	s16 =	sshll.u32 s16, $0x4;
	[sflag:s7] =	ssyncset.done $0x0  }
0x48: {  	s16 =	sadd.s32 s2, s16;
	[sflag:s7] =	ssyncadd.s32 $0xFFFFC000  }
0x49: {  	[hbm4b:s16+s6] =	stream.linear.scatter [tilespmem:s28], [sflag:$0x7], $0x4000, $0x38;
	[tilespmem:$0x17680] =	vst v63  }
0x4a: {  	_ =	swait.ge [sflag:s8], $0x4000  }
0x4b: {  	s16 =	sadd.s32 $0xFFFFFF80, s17;
	[sflag:s8] =	ssyncset.done $0x0  }
0x4c: {  	s24 =	simm.s32 $0x300;
	p1 =	slt.s32 s16, $0x18620;
	[sflag:s8] =	ssyncadd.s32 $0xFFFFC000  }
0x4d: {  	[tilespmem:s28], [sflag:$0x2] =	stream.indirect.gather [hbm4b:s0+s25], $0x80, s24, s25, $0xb8;
	[tilespmem:$0x17680] =	vst v63  }
0x4e: {  	s16 =	simm.s32 @!p1 $0x18620;
	_ =	swait.ge [sflag:s9], $0x4000  }
0x4f: {  	s16 =	sshll.u32 s16, $0x4;
	[sflag:s9] =	ssyncset.done $0x0  }
0x50: {  	s16 =	sadd.s32 s2, s16;
	[sflag:s9] =	ssyncadd.s32 $0xFFFFC000  }
0x51: {  	[hbm4b:s16+s6] =	stream.linear.scatter [tilespmem:s30], [sflag:$0x8], $0x4000, $0x38;
	[tilespmem:$0x17680] =	vst v63  }
0x52: {  	_ =	swait.ge [sflag:s10], $0x4000  }
0x53: {  	s18 =	simm.s32 $0x380;
	[sflag:s10] =	ssyncset.done $0x0  }
0x54: {  	p1 =	slt.s32 s17, $0x18620;
	s16 =	smov.u32 s17;
	[sflag:s10] =	ssyncadd.s32 $0xFFFFC000  }
0x55: {  	[tilespmem:s30], [sflag:$0x3] =	stream.indirect.gather [hbm4b:s0+s25], $0x80, s18, s25, $0xb8;
	[tilespmem:$0x17680] =	vst v63  }
0x56: {  	s16 =	simm.s32 @!p1 $0x18620;
	_ =	swait.ge [sflag:s11], $0x4000  }
0x57: {  	s16 =	sshll.u32 s16, $0x4;
	[sflag:s11] =	ssyncset.done $0x0  }
0x58: {  	s16 =	sadd.s32 s2, s16;
	[sflag:s11] =	ssyncadd.s32 $0xFFFFC000  }
0x59: {  	[hbm4b:s16+s6] =	stream.linear.scatter [tilespmem:s4], [sflag:$0x9], $0x4000, $0x38;
	[tilespmem:$0x17680] =	vst v63  }
0x5a: {  	_ =	swait.ge [sflag:s12], $0x4000  }
0x5b: {  	s18 =	sadd.s32 $0x80, s17;
	[sflag:s12] =	ssyncset.done $0x0  }
0x5c: {  	s19 =	simm.s32 $0x400;
	p1 =	slt.s32 s18, $0x18620;
	[sflag:s12] =	ssyncadd.s32 $0xFFFFC000  }
0x5d: {  	[tilespmem:s4], [sflag:$0x4] =	stream.indirect.gather [hbm4b:s0+s25], $0x80, s19, s25, $0xb8;
	[tilespmem:$0x17680] =	vst v63  }
0x5e: {  	s18 =	simm.s32 @!p1 $0x18620;
	_ =	swait.ge [sflag:s13], $0x4000  }
0x5f: {  	s20 =	sshll.u32 s18, $0x4;
	[sflag:s13] =	ssyncset.done $0x0  }
0x60: {  	s16 =	sadd.s32 s2, s20;
	[sflag:s13] =	ssyncadd.s32 $0xFFFFC000  }
0x61: {  	[hbm4b:s16+s6] =	stream.linear.scatter [tilespmem:s29], [sflag:$0xA], $0x4000, $0x38;
	[tilespmem:$0x17680] =	vst v63  }
0x62: {  	_ =	swait.ge [sflag:s14], $0x4000  }
0x63: {  	s24 =	simm.s32 $0x480;
	s18 =	sadd.s32 $0x100, s17;
	[sflag:s14] =	ssyncset.done $0x0  }
0x64: {  	p1 =	slt.s32 s18, $0x18620;
	s20 =	smov.u32 s17;
	[sflag:s14] =	ssyncadd.s32 $0xFFFFC000  }
0x65: {  	[tilespmem:s29], [sflag:$0x5] =	stream.indirect.gather [hbm4b:s0+s25], $0x80, s24, s25, $0xb8;
	[tilespmem:$0x17680] =	vst v63  }
0x66: {  	s18 =	simm.s32 @!p1 $0x18620;
	s16 =	simm.s32 $0xA00;
	_ =	swait.ge [sflag:s31], $0x4000  }
.LBB2_2:
0x67: {  	[sflag:s31] =	ssyncset.done $0x0;
	s18 =	sshll.u32 s18, $0x4;
	s20 =	sadd.s32 $0x280, s20  }
0x68: {  	p1 =	sne.s32 s16, $0x1E00;
	[sflag:s31] =	ssyncadd.s32 $0xFFFFC000;
	s18 =	sadd.s32 s2, s18  }
0x69: {  	[hbm4b:s18+s6] =	stream.linear.scatter [tilespmem:s26], [sflag:$0x6], $0x4000, $0x38;
	[tilespmem:$0x17680] =	vst v63  }
0x6a: {  	s18 =	sshra.s32 s16, $0x2;
	s16 =	sadd.s32 $0xA00, s16;
	_ =	swait.ge [sflag:s1], $0x4000  }
0x6b: {  	s19 =	sadd.s32 $0xFFFFFF00, s20;
	s24 =	sadd.s32 $0x280, s18;
	[sflag:s1] =	ssyncset.done $0x0  }
0x6c: {  	p2 =	slt.s32 s19, $0x18620;
	[sflag:s1] =	ssyncadd.s32 $0xFFFFC000  }
0x6d: {  	[tilespmem:s26], [sflag:$0x1] =	stream.indirect.gather [hbm4b:s0+s25], $0x80, s24, s25, $0xb8;
	[tilespmem:$0x17680] =	vst v63  }
0x6e: {  	s19 =	simm.s32 @!p2 $0x18620;
	_ =	swait.ge [sflag:s7], $0x4000  }
0x6f: {  	s19 =	sshll.u32 s19, $0x4;
	[sflag:s7] =	ssyncset.done $0x0  }
0x70: {  	s19 =	sadd.s32 s2, s19;
	[sflag:s7] =	ssyncadd.s32 $0xFFFFC000  }
0x71: {  	[hbm4b:s19+s6] =	stream.linear.scatter [tilespmem:s28], [sflag:$0x7], $0x4000, $0x38;
	[tilespmem:$0x17680] =	vst v63  }
0x72: {  	_ =	swait.ge [sflag:s8], $0x4000  }
0x73: {  	s24 =	sadd.s32 $0xFFFFFF80, s20;
	s19 =	sadd.s32 $0x300, s18;
	[sflag:s8] =	ssyncset.done $0x0  }
0x74: {  	p2 =	slt.s32 s24, $0x18620;
	[sflag:s8] =	ssyncadd.s32 $0xFFFFC000  }
0x75: {  	[tilespmem:s28], [sflag:$0x2] =	stream.indirect.gather [hbm4b:s0+s25], $0x80, s19, s25, $0xb8;
	[tilespmem:$0x17680] =	vst v63  }
0x76: {  	s24 =	simm.s32 @!p2 $0x18620;
	_ =	swait.ge [sflag:s9], $0x4000  }
0x77: {  	s19 =	sshll.u32 s24, $0x4;
	[sflag:s9] =	ssyncset.done $0x0  }
0x78: {  	s19 =	sadd.s32 s2, s19;
	[sflag:s9] =	ssyncadd.s32 $0xFFFFC000  }
0x79: {  	[hbm4b:s19+s6] =	stream.linear.scatter [tilespmem:s30], [sflag:$0x8], $0x4000, $0x38;
	[tilespmem:$0x17680] =	vst v63  }
0x7a: {  	_ =	swait.ge [sflag:s10], $0x4000  }
0x7b: {  	[sflag:s10] =	ssyncset.done $0x0  }
0x7c: {  	p2 =	slt.s32 s20, $0x18620;
	s19 =	sadd.s32 $0x380, s18;
	[sflag:s10] =	ssyncadd.s32 $0xFFFFC000  }
0x7d: {  	[tilespmem:s30], [sflag:$0x3] =	stream.indirect.gather [hbm4b:s0+s25], $0x80, s19, s25, $0xb8;
	[tilespmem:$0x17680] =	vst v63  }
0x7e: {  	s19 =	smov.u32 s20  }
0x7f: {  	_ =	swait.ge [sflag:s11], $0x4000;
	s19 =	simm.s32 @!p2 $0x18620  }
0x80: {  	[sflag:s11] =	ssyncset.done $0x0;
	s19 =	sshll.u32 s19, $0x4  }
0x81: {  	[sflag:s11] =	ssyncadd.s32 $0xFFFFC000;
	s19 =	sadd.s32 s2, s19  }
0x82: {  	[hbm4b:s19+s6] =	stream.linear.scatter [tilespmem:s4], [sflag:$0x9], $0x4000, $0x38;
	[tilespmem:$0x17680] =	vst v63  }
0x83: {  	_ =	swait.ge [sflag:s12], $0x4000  }
0x84: {  	[sflag:s12] =	ssyncset.done $0x0  }
0x85: {  	s24 =	sadd.s32 $0x80, s20;
	s19 =	sadd.s32 $0x400, s18;
	[sflag:s12] =	ssyncadd.s32 $0xFFFFC000  }
0x86: {  	[tilespmem:s4], [sflag:$0x4] =	stream.indirect.gather [hbm4b:s0+s25], $0x80, s19, s25, $0xb8;
	[tilespmem:$0x17680] =	vst v63  }
0x87: {  	p2 =	slt.s32 s24, $0x18620;
	_ =	swait.ge [sflag:s13], $0x4000  }
0x88: {  	s24 =	simm.s32 @!p2 $0x18620;
	[sflag:s13] =	ssyncset.done $0x0  }
0x89: {  	s19 =	sshll.u32 s24, $0x4;
	[sflag:s13] =	ssyncadd.s32 $0xFFFFC000  }
0x8a: {  	s19 =	sadd.s32 s2, s19  }
0x8b: {  	[hbm4b:s19+s6] =	stream.linear.scatter [tilespmem:s29], [sflag:$0xA], $0x4000, $0x38;
	[tilespmem:$0x17680] =	vst v63  }
.Ltmp0:
0x8c: {  	_ =	swait.ge [sflag:s14], $0x4000;
	(pc) =	sbr.rel @p1 .LBB2_2-.Ltmp0, $4  }
0x8d: {  	s19 =	sadd.s32 $0x480, s18;
	s18 =	sadd.s32 $0x100, s20;
	[sflag:s14] =	ssyncset.done $0x0  }
0x8e: {  	p2 =	slt.s32 s18, $0x18620;
	[sflag:s14] =	ssyncadd.s32 $0xFFFFC000  }
0x8f: {  	[tilespmem:s29], [sflag:$0x5] =	stream.indirect.gather [hbm4b:s0+s25], $0x80, s19, s25, $0xb8;
	[tilespmem:$0x17680] =	vst v63  }
0x90: {  	s18 =	simm.s32 @!p2 $0x18620;
	_ =	swait.ge [sflag:s31], $0x4000  }
0x91: {  	[sflag:s31] =	ssyncset.done $0x0;
	s16 =	sshll.u32 s18, $0x4  }
0x92: {  	[sflag:s31] =	ssyncadd.s32 $0xFFFFC000;
	s16 =	sadd.s32 s2, s16  }
0x93: {  	[hbm4b:s16+s6] =	stream.linear.scatter [tilespmem:s26], [sflag:$0x6], $0x4000, $0x38;
	[tilespmem:$0x17680] =	vst v63  }
0x94: {  	_ =	swait.ge [sflag:s1], $0x4000  }
0x95: {  	[sflag:s1] =	ssyncset.done $0x0  }
0x96: {  	[sflag:s1] =	ssyncadd.s32 $0xFFFFC000  }
0x97: {  	_ =	swait.ge [sflag:s7], $0x4000  }
0x98: {  	[sflag:s7] =	ssyncset.done $0x0  }
0x99: {  	s16 =	simm.s32 $0x0;
	s19 =	rddreg [dreg:$0xb];
	[sflag:s7] =	ssyncadd.s32 $0xFFFFC000  }
0x9a: {  	[hbm4b:s19+s16] =	stream.linear.scatter [tilespmem:s28], [sflag:$0x7], $0x4000, $0x38;
	[tilespmem:$0x17680] =	vst v63  }
0x9b: {  	_ =	swait.ge [sflag:s8], $0x4000  }
0x9c: {  	[sflag:s8] =	ssyncset.done $0x0  }
0x9d: {  	[sflag:s8] =	ssyncadd.s32 $0xFFFFC000  }
0x9e: {  	_ =	swait.ge [sflag:s9], $0x4000  }
0x9f: {  	[sflag:s9] =	ssyncset.done $0x0  }
0xa0: {  	s20 =	rddreg [dreg:$0xc];
	[sflag:s9] =	ssyncadd.s32 $0xFFFFC000  }
0xa1: {  	[hbm4b:s20+s16] =	stream.linear.scatter [tilespmem:s30], [sflag:$0x8], $0x4000, $0x38;
	[tilespmem:$0x17680] =	vst v63  }
0xa2: {  	_ =	swait.ge [sflag:s10], $0x4000  }
0xa3: {  	[sflag:s10] =	ssyncset.done $0x0  }
0xa4: {  	[sflag:s10] =	ssyncadd.s32 $0xFFFFC000  }
0xa5: {  	_ =	swait.ge [sflag:s11], $0x4000  }
0xa6: {  	[sflag:s11] =	ssyncset.done $0x0  }
0xa7: {  	s24 =	rddreg [dreg:$0xd];
	[sflag:s11] =	ssyncadd.s32 $0xFFFFC000  }
0xa8: {  	[hbm4b:s24+s16] =	stream.linear.scatter [tilespmem:s4], [sflag:$0x9], $0x4000, $0x38;
	[tilespmem:$0x17680] =	vst v63  }
0xa9: {  	_ =	swait.ge [sflag:s12], $0x4000  }
0xaa: {  	[sflag:s12] =	ssyncset.done $0x0  }
0xab: {  	[sflag:s12] =	ssyncadd.s32 $0xFFFFC000  }
0xac: {  	_ =	swait.ge [sflag:s13], $0x4000  }
0xad: {  	[sflag:s13] =	ssyncset.done $0x0  }
0xae: {  	s19 =	rddreg [dreg:$0xe];
	[sflag:s13] =	ssyncadd.s32 $0xFFFFC000  }
0xaf: {  	[hbm4b:s19+s16] =	stream.linear.scatter [tilespmem:s29], [sflag:$0xA], $0x4000, $0x38;
	[tilespmem:$0x17680] =	vst v63  }
0xb0: {  	_ =	swait.ge [sflag:s14], $0x4000  }
0xb1: {  	[sflag:s14] =	ssyncset.done $0x0  }
0xb2: {  	s20 =	simm.s32 $0xC80;
	[sflag:s14] =	ssyncadd.s32 $0xFFFFC000  }
0xb3: {  	[tilespmem:s26], [sflag:$0x1] =	stream.indirect.gather [spmem:s5], $0x80, s20, s25, $0xb8;
	[tilespmem:$0x17680] =	vst v63  }
0xb4: {  	s24 =	simm.s32 $0xD00  }
0xb5: {  	[tilespmem:s28], [sflag:$0x2] =	stream.indirect.gather [spmem:s5], $0x80, s24, s25, $0xb8;
	[tilespmem:$0x17680] =	vst v63  }
0xb6: {  	s19 =	simm.s32 $0xD80  }
0xb7: {  	[tilespmem:s30], [sflag:$0x3] =	stream.indirect.gather [spmem:s5], $0x80, s19, s25, $0xb8;
	[tilespmem:$0x17680] =	vst v63  }
0xb8: {  	s20 =	simm.s32 $0xE00  }
0xb9: {  	[tilespmem:s4], [sflag:$0x4] =	stream.indirect.gather [spmem:s5], $0x80, s20, s25, $0xb8;
	[tilespmem:$0x17680] =	vst v63  }
0xba: {  	s24 =	simm.s32 $0xE80  }
0xbb: {  	[tilespmem:s29], [sflag:$0x5] =	stream.indirect.gather [spmem:s5], $0x80, s24, s25, $0xb8;
	[tilespmem:$0x17680] =	vst v63  }
0xbc: {  	_ =	swait.ge [sflag:s31], $0x4000  }
0xbd: {  	[sflag:s31] =	ssyncset.done $0x0  }
0xbe: {  	s19 =	rddreg [dreg:$0xf];
	[sflag:s31] =	ssyncadd.s32 $0xFFFFC000  }
0xbf: {  	[hbm4b:s19+s16] =	stream.linear.scatter [tilespmem:s26], [sflag:$0x6], $0x4000, $0x38;
	[tilespmem:$0x17680] =	vst v63  }
0xc0: {  	_ =	swait.ge [sflag:s1], $0x4000  }
0xc1: {  	s16 =	sadd.s32 $0xFFFFFF00, s21;
	[sflag:s1] =	ssyncset.done $0x0  }
0xc2: {  	s20 =	simm.s32 $0xF00;
	p1 =	slt.s32 s16, $0x4E180;
	[sflag:s1] =	ssyncadd.s32 $0xFFFFC000  }
0xc3: {  	[tilespmem:s26], [sflag:$0x1] =	stream.indirect.gather [spmem:s5], $0x80, s20, s25, $0xb8;
	[tilespmem:$0x17680] =	vst v63  }
0xc4: {  	s16 =	simm.s32 @!p1 $0x4E180;
	_ =	swait.ge [sflag:s7], $0x4000  }
0xc5: {  	s16 =	sshll.u32 s16, $0x4;
	[sflag:s7] =	ssyncset.done $0x0  }
0xc6: {  	s16 =	sadd.s32 s3, s16;
	[sflag:s7] =	ssyncadd.s32 $0xFFFFC000  }
0xc7: {  	[hbm4b:s16+s6] =	stream.linear.scatter [tilespmem:s28], [sflag:$0x7], $0x4000, $0x38;
	[tilespmem:$0x17680] =	vst v63  }
0xc8: {  	_ =	swait.ge [sflag:s8], $0x4000  }
0xc9: {  	s16 =	sadd.s32 $0xFFFFFF80, s21;
	[sflag:s8] =	ssyncset.done $0x0  }
0xca: {  	s24 =	simm.s32 $0xF80;
	p1 =	slt.s32 s16, $0x4E180;
	[sflag:s8] =	ssyncadd.s32 $0xFFFFC000  }
0xcb: {  	[tilespmem:s28], [sflag:$0x2] =	stream.indirect.gather [spmem:s5], $0x80, s24, s25, $0xb8;
	[tilespmem:$0x17680] =	vst v63  }
0xcc: {  	s16 =	simm.s32 @!p1 $0x4E180;
	_ =	swait.ge [sflag:s9], $0x4000  }
0xcd: {  	s16 =	sshll.u32 s16, $0x4;
	[sflag:s9] =	ssyncset.done $0x0  }
0xce: {  	s16 =	sadd.s32 s3, s16;
	[sflag:s9] =	ssyncadd.s32 $0xFFFFC000  }
0xcf: {  	[hbm4b:s16+s6] =	stream.linear.scatter [tilespmem:s30], [sflag:$0x8], $0x4000, $0x38;
	[tilespmem:$0x17680] =	vst v63  }
0xd0: {  	_ =	swait.ge [sflag:s10], $0x4000  }
0xd1: {  	s18 =	simm.s32 $0x1000;
	[sflag:s10] =	ssyncset.done $0x0  }
0xd2: {  	p1 =	slt.s32 s21, $0x4E180;
	s16 =	smov.u32 s21;
	[sflag:s10] =	ssyncadd.s32 $0xFFFFC000  }
0xd3: {  	[tilespmem:s30], [sflag:$0x3] =	stream.indirect.gather [spmem:s5], $0x80, s18, s25, $0xb8;
	[tilespmem:$0x17680] =	vst v63  }
0xd4: {  	s16 =	simm.s32 @!p1 $0x4E180;
	_ =	swait.ge [sflag:s11], $0x4000  }
0xd5: {  	s16 =	sshll.u32 s16, $0x4;
	[sflag:s11] =	ssyncset.done $0x0  }
0xd6: {  	s16 =	sadd.s32 s3, s16;
	[sflag:s11] =	ssyncadd.s32 $0xFFFFC000  }
0xd7: {  	[hbm4b:s16+s6] =	stream.linear.scatter [tilespmem:s4], [sflag:$0x9], $0x4000, $0x38;
	[tilespmem:$0x17680] =	vst v63  }
0xd8: {  	_ =	swait.ge [sflag:s12], $0x4000  }
0xd9: {  	s18 =	sadd.s32 $0x80, s21;
	[sflag:s12] =	ssyncset.done $0x0  }
0xda: {  	s19 =	simm.s32 $0x1080;
	p1 =	slt.s32 s18, $0x4E180;
	[sflag:s12] =	ssyncadd.s32 $0xFFFFC000  }
0xdb: {  	[tilespmem:s4], [sflag:$0x4] =	stream.indirect.gather [spmem:s5], $0x80, s19, s25, $0xb8;
	[tilespmem:$0x17680] =	vst v63  }
0xdc: {  	s18 =	simm.s32 @!p1 $0x4E180;
	_ =	swait.ge [sflag:s13], $0x4000  }
0xdd: {  	s20 =	sshll.u32 s18, $0x4;
	[sflag:s13] =	ssyncset.done $0x0  }
0xde: {  	s16 =	sadd.s32 s3, s20;
	[sflag:s13] =	ssyncadd.s32 $0xFFFFC000  }
0xdf: {  	[hbm4b:s16+s6] =	stream.linear.scatter [tilespmem:s29], [sflag:$0xA], $0x4000, $0x38;
	[tilespmem:$0x17680] =	vst v63  }
0xe0: {  	_ =	swait.ge [sflag:s14], $0x4000  }
0xe1: {  	s24 =	simm.s32 $0x1100;
	s18 =	sadd.s32 $0x100, s21;
	[sflag:s14] =	ssyncset.done $0x0  }
0xe2: {  	p1 =	slt.s32 s18, $0x4E180;
	s20 =	smov.u32 s21;
	[sflag:s14] =	ssyncadd.s32 $0xFFFFC000  }
0xe3: {  	[tilespmem:s29], [sflag:$0x5] =	stream.indirect.gather [spmem:s5], $0x80, s24, s25, $0xb8;
	[tilespmem:$0x17680] =	vst v63  }
0xe4: {  	s18 =	simm.s32 @!p1 $0x4E180;
	s16 =	simm.s32 $0xA00;
	_ =	swait.ge [sflag:s31], $0x4000  }
.LBB2_4:
0xe5: {  	[sflag:s31] =	ssyncset.done $0x0;
	s18 =	sshll.u32 s18, $0x4;
	s20 =	sadd.s32 $0x280, s20  }
0xe6: {  	p1 =	sne.s32 s16, $0x8C00;
	[sflag:s31] =	ssyncadd.s32 $0xFFFFC000;
	s18 =	sadd.s32 s3, s18  }
0xe7: {  	[hbm4b:s18+s6] =	stream.linear.scatter [tilespmem:s26], [sflag:$0x6], $0x4000, $0x38;
	[tilespmem:$0x17680] =	vst v63  }
0xe8: {  	s18 =	sshra.s32 s16, $0x2;
	s16 =	sadd.s32 $0xA00, s16;
	_ =	swait.ge [sflag:s1], $0x4000  }
0xe9: {  	s24 =	sadd.s32 $0xFFFFFF00, s20;
	s19 =	sadd.s32 $0xF00, s18;
	[sflag:s1] =	ssyncset.done $0x0  }
0xea: {  	p2 =	slt.s32 s24, $0x4E180;
	[sflag:s1] =	ssyncadd.s32 $0xFFFFC000  }
0xeb: {  	[tilespmem:s26], [sflag:$0x1] =	stream.indirect.gather [spmem:s5], $0x80, s19, s25, $0xb8;
	[tilespmem:$0x17680] =	vst v63  }
0xec: {  	s24 =	simm.s32 @!p2 $0x4E180;
	_ =	swait.ge [sflag:s7], $0x4000  }
0xed: {  	s19 =	sshll.u32 s24, $0x4;
	[sflag:s7] =	ssyncset.done $0x0  }
0xee: {  	s19 =	sadd.s32 s3, s19;
	[sflag:s7] =	ssyncadd.s32 $0xFFFFC000  }
0xef: {  	[hbm4b:s19+s6] =	stream.linear.scatter [tilespmem:s28], [sflag:$0x7], $0x4000, $0x38;
	[tilespmem:$0x17680] =	vst v63  }
0xf0: {  	_ =	swait.ge [sflag:s8], $0x4000  }
0xf1: {  	s24 =	sadd.s32 $0xFFFFFF80, s20;
	s19 =	sadd.s32 $0xF80, s18;
	[sflag:s8] =	ssyncset.done $0x0  }
0xf2: {  	p2 =	slt.s32 s24, $0x4E180;
	[sflag:s8] =	ssyncadd.s32 $0xFFFFC000  }
0xf3: {  	[tilespmem:s28], [sflag:$0x2] =	stream.indirect.gather [spmem:s5], $0x80, s19, s25, $0xb8;
	[tilespmem:$0x17680] =	vst v63  }
0xf4: {  	s24 =	simm.s32 @!p2 $0x4E180;
	_ =	swait.ge [sflag:s9], $0x4000  }
0xf5: {  	s19 =	sshll.u32 s24, $0x4;
	[sflag:s9] =	ssyncset.done $0x0  }
0xf6: {  	s19 =	sadd.s32 s3, s19;
	[sflag:s9] =	ssyncadd.s32 $0xFFFFC000  }
0xf7: {  	[hbm4b:s19+s6] =	stream.linear.scatter [tilespmem:s30], [sflag:$0x8], $0x4000, $0x38;
	[tilespmem:$0x17680] =	vst v63  }
0xf8: {  	_ =	swait.ge [sflag:s10], $0x4000  }
0xf9: {  	[sflag:s10] =	ssyncset.done $0x0  }
0xfa: {  	p2 =	slt.s32 s20, $0x4E180;
	s19 =	sadd.s32 $0x1000, s18;
	[sflag:s10] =	ssyncadd.s32 $0xFFFFC000  }
0xfb: {  	[tilespmem:s30], [sflag:$0x3] =	stream.indirect.gather [spmem:s5], $0x80, s19, s25, $0xb8;
	[tilespmem:$0x17680] =	vst v63  }
0xfc: {  	s19 =	smov.u32 s20  }
0xfd: {  	_ =	swait.ge [sflag:s11], $0x4000;
	s19 =	simm.s32 @!p2 $0x4E180  }
0xfe: {  	[sflag:s11] =	ssyncset.done $0x0;
	s19 =	sshll.u32 s19, $0x4  }
0xff: {  	[sflag:s11] =	ssyncadd.s32 $0xFFFFC000;
	s19 =	sadd.s32 s3, s19  }
0x100: {  	[hbm4b:s19+s6] =	stream.linear.scatter [tilespmem:s4], [sflag:$0x9], $0x4000, $0x38;
	[tilespmem:$0x17680] =	vst v63  }
0x101: {  	_ =	swait.ge [sflag:s12], $0x4000  }
0x102: {  	[sflag:s12] =	ssyncset.done $0x0  }
0x103: {  	s24 =	sadd.s32 $0x80, s20;
	s19 =	sadd.s32 $0x1080, s18;
	[sflag:s12] =	ssyncadd.s32 $0xFFFFC000  }
0x104: {  	[tilespmem:s4], [sflag:$0x4] =	stream.indirect.gather [spmem:s5], $0x80, s19, s25, $0xb8;
	[tilespmem:$0x17680] =	vst v63  }
0x105: {  	p2 =	slt.s32 s24, $0x4E180;
	_ =	swait.ge [sflag:s13], $0x4000  }
0x106: {  	s24 =	simm.s32 @!p2 $0x4E180;
	[sflag:s13] =	ssyncset.done $0x0  }
0x107: {  	s19 =	sshll.u32 s24, $0x4;
	[sflag:s13] =	ssyncadd.s32 $0xFFFFC000  }
0x108: {  	s19 =	sadd.s32 s3, s19  }
0x109: {  	[hbm4b:s19+s6] =	stream.linear.scatter [tilespmem:s29], [sflag:$0xA], $0x4000, $0x38;
	[tilespmem:$0x17680] =	vst v63  }
.Ltmp1:
0x10a: {  	_ =	swait.ge [sflag:s14], $0x4000;
	(pc) =	sbr.rel @p1 .LBB2_4-.Ltmp1, $4  }
0x10b: {  	s19 =	sadd.s32 $0x1100, s18;
	s18 =	sadd.s32 $0x100, s20;
	[sflag:s14] =	ssyncset.done $0x0  }
0x10c: {  	p2 =	slt.s32 s18, $0x4E180;
	[sflag:s14] =	ssyncadd.s32 $0xFFFFC000  }
0x10d: {  	[tilespmem:s29], [sflag:$0x5] =	stream.indirect.gather [spmem:s5], $0x80, s19, s25, $0xb8;
	[tilespmem:$0x17680] =	vst v63  }
0x10e: {  	s18 =	simm.s32 @!p2 $0x4E180;
	_ =	swait.ge [sflag:s31], $0x4000  }
0x10f: {  	[sflag:s31] =	ssyncset.done $0x0;
	s16 =	sshll.u32 s18, $0x4  }
0x110: {  	[sflag:s31] =	ssyncadd.s32 $0xFFFFC000;
	s16 =	sadd.s32 s3, s16  }
0x111: {  	[hbm4b:s16+s6] =	stream.linear.scatter [tilespmem:s26], [sflag:$0x6], $0x4000, $0x38;
	[tilespmem:$0x17680] =	vst v63  }
0x112: {  	_ =	swait.ge [sflag:s1], $0x4000  }
0x113: {  	[sflag:s1] =	ssyncset.done $0x0  }
0x114: {  	[sflag:s1] =	ssyncadd.s32 $0xFFFFC000  }
0x115: {  	_ =	swait.ge [sflag:s7], $0x4000  }
0x116: {  	[sflag:s7] =	ssyncset.done $0x0  }
0x117: {  	s24 =	rddreg [dreg:$0x10];
	[sflag:s7] =	ssyncadd.s32 $0xFFFFC000  }
0x118: {  	[hbm4b:s24+s6] =	stream.linear.scatter [tilespmem:s28], [sflag:$0x7], $0x4000, $0x38;
	[tilespmem:$0x17680] =	vst v63  }
0x119: {  	_ =	swait.ge [sflag:s8], $0x4000  }
0x11a: {  	[sflag:s8] =	ssyncset.done $0x0  }
0x11b: {  	[sflag:s8] =	ssyncadd.s32 $0xFFFFC000  }
0x11c: {  	_ =	swait.ge [sflag:s9], $0x4000  }
0x11d: {  	[sflag:s9] =	ssyncset.done $0x0  }
0x11e: {  	s18 =	rddreg [dreg:$0x11];
	[sflag:s9] =	ssyncadd.s32 $0xFFFFC000  }
0x11f: {  	[hbm4b:s18+s6] =	stream.linear.scatter [tilespmem:s30], [sflag:$0x8], $0x4000, $0x38;
	[tilespmem:$0x17680] =	vst v63  }
0x120: {  	_ =	swait.ge [sflag:s10], $0x4000  }
0x121: {  	[sflag:s10] =	ssyncset.done $0x0  }
0x122: {  	[sflag:s10] =	ssyncadd.s32 $0xFFFFC000  }
0x123: {  	_ =	swait.ge [sflag:s11], $0x4000  }
0x124: {  	[sflag:s11] =	ssyncset.done $0x0  }
0x125: {  	s19 =	rddreg [dreg:$0x12];
	[sflag:s11] =	ssyncadd.s32 $0xFFFFC000  }
0x126: {  	[hbm4b:s19+s6] =	stream.linear.scatter [tilespmem:s4], [sflag:$0x9], $0x4000, $0x38;
	[tilespmem:$0x17680] =	vst v63  }
0x127: {  	_ =	swait.ge [sflag:s12], $0x4000  }
0x128: {  	[sflag:s12] =	ssyncset.done $0x0  }
0x129: {  	[sflag:s12] =	ssyncadd.s32 $0xFFFFC000  }
0x12a: {  	_ =	swait.ge [sflag:s13], $0x4000  }
0x12b: {  	[sflag:s13] =	ssyncset.done $0x0  }
0x12c: {  	s20 =	rddreg [dreg:$0x13];
	[sflag:s13] =	ssyncadd.s32 $0xFFFFC000  }
0x12d: {  	[hbm4b:s20+s6] =	stream.linear.scatter [tilespmem:s29], [sflag:$0xA], $0x4000, $0x38;
	[tilespmem:$0x17680] =	vst v63  }
0x12e: {  	_ =	swait.ge [sflag:s14], $0x4000  }
0x12f: {  	s15 =	sadd.s32 $0x1, s15;
	s24 =	rddreg [dreg:$0x14]  }
0x130: {  	p1 =	sne.s32 s15, s24  }
.Ltmp2:
0x131: {  	_ = 	snop;
	(pc) =	sbr.rel @p1 .LBB2_1-.Ltmp2, $3  }
0x132: {  	_ =	sdelay $0x1  }
0x133: {  	[sflag:s14] =	ssyncset.done $0x0  }
0x134: {  	[sflag:s14] =	ssyncadd.s32 $0xFFFFC000  }
0x135: {  	_ =	sfence.sel $0x180000  }
0x136: {  	[bflag:$0x0] =	sbarrier.arrive $0xFFFF  }
0x137: {  	_ =	strace $0x90000047  }
0x138: {  	[bflag:$0x2] =	sbarrier.arrive $0xFFFF  }
0x139: {  	s0 =	rddreg [dreg:$0x7]  }
0x13a: {  	s0 =	sadd.s32 @!p0 $0x100000, s0  }
0x13b: {  	[sflag:s0] =	ssyncadd.tile.s32 @!p0 $0x1;
	_ =	shalt  }
.Lfunc_end2:
_tile_overlayer_lowered:
.L_overlay_start_2:
0x13c: {  	(tag) =	ssettag $0x2  }
0x13d: {  	s0 =	rddreg [dreg:$0x0];
	s2 =	stileid.u32  }
0x13e: {  	s1 =	rddreg [dreg:$0x1];
	p0 =	sne.s32 s2, $0x0  }
0x13f: {  	s3 =	rddreg [dreg:$0x2];
	[bflag:$0x3] =	sbarrier.arrive $0xFFFF;
	s2 =	simm.s32 @!p0 $0x1C0C  }
0x140: {  	[timem:s3], [sflag:s2] =	dma.local @!p0 [hbm:s0], s1  }
0x141: {  	s0 =	simm.s32 @!p0 $0xC  }
0x142: {  	_ =	swait.ge @!p0 [sflag:s0], s1  }
0x143: {  	s1 =	ssub.s32 @!p0 $0x0, s1;
	[sflag:s0] =	ssyncset.done @!p0 $0x0  }
0x144: {  	[sflag:s0] =	ssyncadd.s32 @!p0 s1  }
0x145: {  	[bflag:$0x3] =	sbarrier.arrive $0xFFFF  }
0x146: {  	_ =	shalt  }

</sc_bundles>
